<compile_context>
chip_gen: v7x
topology: tpu7x:2x2x1
jax: 0.10.2.dev20260603
libtpu: 0.0.44.dev20260713+nightly
codegen_flags: <defaults>
</compile_context>

<pallas_src>
import functools
import jax
import jax.numpy as jnp
from jax import lax
from jax.experimental import pallas as pl
from jax.experimental.pallas import tpu as pltpu
from jax.experimental.pallas import tpu_sc as plsc

N_NODES = 50000
N_OUT = 5000
N_EDGES = 1600000
OUT_BASE = N_NODES - N_OUT

NC, NS = 2, 16
NW = NC * NS
EPW = N_EDGES // NW
CHUNK = 10000
NCHUNK = EPW // CHUNK
VEC = 16
NVEC = CHUNK // VEC
UNROLL = 5
SHIELD = 10
ACC = 5120

_mesh = plsc.VectorSubcoreMesh(
    core_axis_name="c", subcore_axis_name="s", num_cores=NC, num_subcores=NS
)


@functools.partial(
    pl.kernel,
    out_type=jax.ShapeDtypeStruct((NW, ACC), jnp.float32),
    mesh=_mesh,
    scratch_types=[
        pltpu.VMEM((N_NODES,), jnp.float32),
        pltpu.VMEM((ACC,), jnp.float32),
        pltpu.VMEM((ACC,), jnp.float32),
        pltpu.VMEM((CHUNK,), jnp.int32),
        pltpu.VMEM((CHUNK,), jnp.int32),
        pltpu.VMEM((CHUNK,), jnp.int32),
        pltpu.VMEM((CHUNK,), jnp.int32),
        pltpu.VMEM((CHUNK,), jnp.float32),
        pltpu.VMEM((CHUNK,), jnp.float32),
        pltpu.SemaphoreType.DMA,
        pltpu.SemaphoreType.DMA,
        pltpu.SemaphoreType.DMA,
    ],
    compiler_params=pltpu.CompilerParams(needs_layout_passes=False),
)
def _sc_partial(h_hbm, src_hbm, dst_hbm, w_hbm, out_hbm,
                h_l, acc, stage, src_b0, src_b1, dst_b0, dst_b1, w_b0, w_b1,
                sem0, sem1, sem_h):
    wid = lax.axis_index("s") * NC + lax.axis_index("c")
    base = wid * EPW
    sems = (sem0, sem1)
    src_bufs = (src_b0, src_b1)
    dst_bufs = (dst_b0, dst_b1)
    w_bufs = (w_b0, w_b1)

    def start_chunk(ci, slot):
        off = base + ci * CHUNK
        return [
            pltpu.async_copy(src_hbm.at[pl.ds(off, CHUNK)], src_bufs[slot],
                             sems[slot]),
            pltpu.async_copy(dst_hbm.at[pl.ds(off, CHUNK)], dst_bufs[slot],
                             sems[slot]),
            pltpu.async_copy(w_hbm.at[pl.ds(off, CHUNK)], w_bufs[slot],
                             sems[slot]),
        ]

    h_dma = pltpu.async_copy(h_hbm, h_l, sem_h)
    pending = start_chunk(0, 0)

    def zero_body(i, carry):
        acc[pl.ds(i * VEC, VEC)] = jnp.zeros((VEC,), jnp.float32)
        return carry

    lax.fori_loop(0, ACC // VEC, zero_body, 0)
    h_dma.wait()

    for ci in range(NCHUNK):
        slot = ci % 2
        nxt = pending
        if ci + 1 < NCHUNK:
            nxt = start_chunk(ci + 1, 1 - slot)
        for d in pending:
            d.wait()
        pending = nxt

        def do_vec(s, _slot=slot):
            dst = dst_bufs[_slot][pl.ds(s, VEC)]
            mask = dst >= OUT_BASE
            srcv = src_bufs[_slot][pl.ds(s, VEC)]
            wv = w_bufs[_slot][pl.ds(s, VEC)]
            h = plsc.load_gather(h_l, [srcv])
            idx = jnp.where(mask, dst - OUT_BASE, 0)
            plsc.addupdate_scatter(acc, [idx], wv * h, mask=mask)

        def shield_body(vi, c2):
            do_vec(vi * VEC)
            return c2

        lax.fori_loop(0, SHIELD, shield_body, 0)

        @plsc.parallel_loop(SHIELD, NVEC, 1, unroll=UNROLL)
        def vec_body(vi):
            do_vec(vi * VEC)

    def stage_body(i, c):
        stage[pl.ds(i * VEC, VEC)] = acc[pl.ds(i * VEC, VEC)]
        return c

    lax.fori_loop(0, ACC // VEC, stage_body, 0)
    pltpu.sync_copy(stage, out_hbm.at[wid])


def _tc_tail_body(p_ref, b_ref, o_ref):
    pre = jnp.sum(p_ref[...], axis=0)[:N_OUT] + b_ref[pl.ds(OUT_BASE, N_OUT)]
    o_ref[...] = jnp.tanh(pre)


@jax.jit
def kernel(obs, h_prev, edge_weight, bias, edge_src, edge_dst):
    part = _sc_partial(h_prev, edge_src, edge_dst, edge_weight)
    return pl.pallas_call(
        _tc_tail_body,
        out_shape=jax.ShapeDtypeStruct((N_OUT,), jnp.float32),
    )(part, bias)

# --- scband reference (transcript-rebuilt; emitter-appended) ---
"""Pipeline reference for scband-neuron-graph-39238821216886 (READ-ONLY COPY).

The authoritative reference and input builder live on the scoring server;
editing this copy changes nothing except your own understanding.
"""

import jax, jax.numpy as jnp
import numpy as np

N_NODES = 50000   # 5000 input + 40000 hidden + 5000 output
N_INPUT = 5000
N_OUTPUT = 5000
N_EDGES = 1600000


def setup_inputs(seed: int = 0) -> dict:
    key = jax.random.key(seed)
    ks = jax.random.split(key, 6)
    obs = jax.random.normal(ks[0], (N_INPUT,), dtype=jnp.float32)
    h_prev = jax.random.normal(ks[1], (N_NODES,), dtype=jnp.float32)
    edge_weight = jax.random.normal(ks[2], (N_EDGES,), dtype=jnp.float32) * 0.1
    bias = jax.random.normal(ks[3], (N_NODES,), dtype=jnp.float32) * 0.1
    edge_src = jax.random.randint(ks[4], (N_EDGES,), 0, N_NODES, dtype=jnp.int32)
    edge_dst = jax.random.randint(ks[5], (N_EDGES,), 0, N_NODES, dtype=jnp.int32)
    return {
        "obs": obs,
        "h_prev": h_prev,
        "edge_weight": edge_weight,
        "bias": bias,
        "edge_src": edge_src,
        "edge_dst": edge_dst,
    }


def reference(obs, h_prev, edge_weight, bias, edge_src, edge_dst):
    # One timestep of NeuronGraph.forward, vectorized.
    # All edges are recurrent (delay=1): every non-input neuron reads its
    # sources' previous-timestep activations from the history buffer h_prev,
    # so the within-timestep topological order is trivial (all in-degree 0
    # for feedforward edges) and the update is a single gather ->
    # weighted-message -> scatter-add -> bias + tanh.
    # Node id layout: [0, N_INPUT) inputs, [N_INPUT, N_NODES-N_OUTPUT) hidden,
    # [N_NODES-N_OUTPUT, N_NODES) outputs.
    msgs = edge_weight * jnp.take(h_prev, edge_src, axis=0)          # w * h_u^(t-d)
    pre = jax.ops.segment_sum(msgs, edge_dst, num_segments=N_NODES)  # sum into dst
    h_new = jnp.tanh(pre + bias)                                     # sigma_v(b_v + ...)
    # Input neurons' _current is set directly from obs (they are never
    # evaluated through the activation); any stray edges into input slots
    # are discarded by this overwrite, matching module semantics.
    h_new = h_new.at[:N_INPUT].set(obs)
    # Output action vector: concat of output neurons' _current.
    return h_new[N_NODES - N_OUTPUT:]

if __name__ == "__main__":
    import jax
    _d = setup_inputs()
    print(jax.jit(kernel)(*tuple(_d.values())))

</pallas_src>

<mosaic_0001>
#map = affine_map<(d0, d1) -> (0)>
#map1 = affine_map<(d0, d1) -> (0, 0)>
module attributes {stable_mosaic.version = 14 : i64} {
  func.func @_sc_partial(%arg0: i32, %arg1: i32, %arg2: memref<50000xf32, #tpu.memory_space<hbm>>, %arg3: memref<1600000xi32, #tpu.memory_space<hbm>>, %arg4: memref<1600000xi32, #tpu.memory_space<hbm>>, %arg5: memref<1600000xf32, #tpu.memory_space<hbm>>, %arg6: memref<32x5120xf32, #tpu.memory_space<hbm>>, %arg7: memref<50000xf32, #tpu.memory_space<vmem>>, %arg8: memref<5120xf32, #tpu.memory_space<vmem>>, %arg9: memref<5120xf32, #tpu.memory_space<vmem>>, %arg10: memref<10000xi32, #tpu.memory_space<vmem>>, %arg11: memref<10000xi32, #tpu.memory_space<vmem>>, %arg12: memref<10000xi32, #tpu.memory_space<vmem>>, %arg13: memref<10000xi32, #tpu.memory_space<vmem>>, %arg14: memref<10000xf32, #tpu.memory_space<vmem>>, %arg15: memref<10000xf32, #tpu.memory_space<vmem>>, %arg16: memref<!tpu.dma_semaphore, #tpu.memory_space<semaphore_mem>>, %arg17: memref<!tpu.dma_semaphore, #tpu.memory_space<semaphore_mem>>, %arg18: memref<!tpu.dma_semaphore, #tpu.memory_space<semaphore_mem>>) attributes {dimension_semantics = [#tpu.dimension_semantics<core_parallel>, #tpu.dimension_semantics<subcore_parallel>], iteration_bounds = array<i64: 2, 16>, scalar_prefetch = 0 : i64, scratch_operands = 12 : i64, tpu.core_type = #tpu.core_type<sc_vector_subcore>, window_params = [{transform_indices = #map}, {transform_indices = #map}, {transform_indices = #map}, {transform_indices = #map}, {transform_indices = #map1}]} {
    %mul3A = arith.constant 2 : i32
    %mul3A_0 = arith.muli %arg1, %mul3A : i32
    %add3A = arith.addi %mul3A_0, %arg0 : i32
    %mul3A_1 = arith.constant 50000 : i32
    %mul3A_2 = arith.muli %add3A, %mul3A_1 : i32
    tpu.enqueue_dma source(%arg2 : memref<50000xf32, #tpu.memory_space<hbm>>) target(%arg7 : memref<50000xf32, #tpu.memory_space<vmem>>) target_semaphore(%arg18 : memref<!tpu.dma_semaphore, #tpu.memory_space<semaphore_mem>>)
    %add3A_3 = arith.constant 0 : i32
    %add3A_4 = arith.addi %mul3A_2, %add3A_3 : i32
    %dma_start3A = tpu.memref_slice %arg3[%add3A_4] : memref<1600000xi32, #tpu.memory_space<hbm>> -> memref<10000xi32, #tpu.memory_space<hbm>>
    %dma_start3A_5 = tpu.memref_slice %arg3[%add3A_4] : memref<1600000xi32, #tpu.memory_space<hbm>> -> memref<10000xi32, #tpu.memory_space<hbm>>
    tpu.enqueue_dma source(%dma_start3A_5 : memref<10000xi32, #tpu.memory_space<hbm>>) target(%arg10 : memref<10000xi32, #tpu.memory_space<vmem>>) target_semaphore(%arg16 : memref<!tpu.dma_semaphore, #tpu.memory_space<semaphore_mem>>)
    %dma_start3A_6 = tpu.memref_slice %arg4[%add3A_4] : memref<1600000xi32, #tpu.memory_space<hbm>> -> memref<10000xi32, #tpu.memory_space<hbm>>
    %dma_start3A_7 = tpu.memref_slice %arg4[%add3A_4] : memref<1600000xi32, #tpu.memory_space<hbm>> -> memref<10000xi32, #tpu.memory_space<hbm>>
    tpu.enqueue_dma source(%dma_start3A_7 : memref<10000xi32, #tpu.memory_space<hbm>>) target(%arg12 : memref<10000xi32, #tpu.memory_space<vmem>>) target_semaphore(%arg16 : memref<!tpu.dma_semaphore, #tpu.memory_space<semaphore_mem>>)
    %dma_start3A_8 = tpu.memref_slice %arg5[%add3A_4] : memref<1600000xf32, #tpu.memory_space<hbm>> -> memref<10000xf32, #tpu.memory_space<hbm>>
    %dma_start3A_9 = tpu.memref_slice %arg5[%add3A_4] : memref<1600000xf32, #tpu.memory_space<hbm>> -> memref<10000xf32, #tpu.memory_space<hbm>>
    tpu.enqueue_dma source(%dma_start3A_9 : memref<10000xf32, #tpu.memory_space<hbm>>) target(%arg14 : memref<10000xf32, #tpu.memory_space<vmem>>) target_semaphore(%arg16 : memref<!tpu.dma_semaphore, #tpu.memory_space<semaphore_mem>>)
    %scan3A = arith.constant 0 : i32
    %scan3A_10 = arith.constant 0 : i32
    %scan3A_11 = arith.constant 320 : i32
    %scan3A_12 = arith.addi %scan3A_10, %scan3A_11 : i32
    %scan3A_13 = arith.constant 1 : i32
    scf.for %scan3A_126 = %scan3A_10 to %scan3A_12 step %scan3A_13  : i32 {
      %broadcast_in_dim3A = arith.constant 0.000000e+00 : f32
      %broadcast_in_dim3A_127 = vector.broadcast %broadcast_in_dim3A : f32 to vector<16xf32>
      %mul3A_128 = arith.constant 16 : i32
      %mul3A_129 = arith.muli %scan3A_126, %mul3A_128 : i32
      %swap3A = arith.index_cast %mul3A_129 : i32 to index
      %swap3A_130 = tpu.vector_load %arg8[%swap3A] {strides = array<i32>} : memref<5120xf32, #tpu.memory_space<vmem>>, vector<16xf32>,
      tpu.vector_store %arg8[%swap3A], %broadcast_in_dim3A_127 {strides = array<i32>} : memref<5120xf32, #tpu.memory_space<vmem>>, vector<16xf32>,
    }
    %scan3A_14 = arith.constant 320 : i32
    tpu.wait_dma2 semaphore(%arg18 : memref<!tpu.dma_semaphore, #tpu.memory_space<semaphore_mem>>) src(%arg2 : memref<50000xf32, #tpu.memory_space<hbm>>) dst(%arg7 : memref<50000xf32, #tpu.memory_space<vmem>>)
    %add3A_15 = arith.constant 10000 : i32
    %add3A_16 = arith.addi %mul3A_2, %add3A_15 : i32
    %dma_start3A_17 = tpu.memref_slice %arg3[%add3A_16] : memref<1600000xi32, #tpu.memory_space<hbm>> -> memref<10000xi32, #tpu.memory_space<hbm>>
    %dma_start3A_18 = tpu.memref_slice %arg3[%add3A_16] : memref<1600000xi32, #tpu.memory_space<hbm>> -> memref<10000xi32, #tpu.memory_space<hbm>>
    tpu.enqueue_dma source(%dma_start3A_18 : memref<10000xi32, #tpu.memory_space<hbm>>) target(%arg11 : memref<10000xi32, #tpu.memory_space<vmem>>) target_semaphore(%arg17 : memref<!tpu.dma_semaphore, #tpu.memory_space<semaphore_mem>>)
    %dma_start3A_19 = tpu.memref_slice %arg4[%add3A_16] : memref<1600000xi32, #tpu.memory_space<hbm>> -> memref<10000xi32, #tpu.memory_space<hbm>>
    %dma_start3A_20 = tpu.memref_slice %arg4[%add3A_16] : memref<1600000xi32, #tpu.memory_space<hbm>> -> memref<10000xi32, #tpu.memory_space<hbm>>
    tpu.enqueue_dma source(%dma_start3A_20 : memref<10000xi32, #tpu.memory_space<hbm>>) target(%arg13 : memref<10000xi32, #tpu.memory_space<vmem>>) target_semaphore(%arg17 : memref<!tpu.dma_semaphore, #tpu.memory_space<semaphore_mem>>)
    %dma_start3A_21 = tpu.memref_slice %arg5[%add3A_16] : memref<1600000xf32, #tpu.memory_space<hbm>> -> memref<10000xf32, #tpu.memory_space<hbm>>
    %dma_start3A_22 = tpu.memref_slice %arg5[%add3A_16] : memref<1600000xf32, #tpu.memory_space<hbm>> -> memref<10000xf32, #tpu.memory_space<hbm>>
    tpu.enqueue_dma source(%dma_start3A_22 : memref<10000xf32, #tpu.memory_space<hbm>>) target(%arg15 : memref<10000xf32, #tpu.memory_space<vmem>>) target_semaphore(%arg17 : memref<!tpu.dma_semaphore, #tpu.memory_space<semaphore_mem>>)
    %dma_wait3A = tpu.memref_slice %arg3[%add3A_4] : memref<1600000xi32, #tpu.memory_space<hbm>> -> memref<10000xi32, #tpu.memory_space<hbm>>
    %dma_wait3A_23 = tpu.memref_slice %arg3[%add3A_4] : memref<1600000xi32, #tpu.memory_space<hbm>> -> memref<10000xi32, #tpu.memory_space<hbm>>
    tpu.wait_dma2 semaphore(%arg16 : memref<!tpu.dma_semaphore, #tpu.memory_space<semaphore_mem>>) src(%dma_wait3A_23 : memref<10000xi32, #tpu.memory_space<hbm>>) dst(%arg10 : memref<10000xi32, #tpu.memory_space<vmem>>)
    %dma_wait3A_24 = tpu.memref_slice %arg4[%add3A_4] : memref<1600000xi32, #tpu.memory_space<hbm>> -> memref<10000xi32, #tpu.memory_space<hbm>>
    %dma_wait3A_25 = tpu.memref_slice %arg4[%add3A_4] : memref<1600000xi32, #tpu.memory_space<hbm>> -> memref<10000xi32, #tpu.memory_space<hbm>>
    tpu.wait_dma2 semaphore(%arg16 : memref<!tpu.dma_semaphore, #tpu.memory_space<semaphore_mem>>) src(%dma_wait3A_25 : memref<10000xi32, #tpu.memory_space<hbm>>) dst(%arg12 : memref<10000xi32, #tpu.memory_space<vmem>>)
    %dma_wait3A_26 = tpu.memref_slice %arg5[%add3A_4] : memref<1600000xf32, #tpu.memory_space<hbm>> -> memref<10000xf32, #tpu.memory_space<hbm>>
    %dma_wait3A_27 = tpu.memref_slice %arg5[%add3A_4] : memref<1600000xf32, #tpu.memory_space<hbm>> -> memref<10000xf32, #tpu.memory_space<hbm>>
    tpu.wait_dma2 semaphore(%arg16 : memref<!tpu.dma_semaphore, #tpu.memory_space<semaphore_mem>>) src(%dma_wait3A_27 : memref<10000xf32, #tpu.memory_space<hbm>>) dst(%arg14 : memref<10000xf32, #tpu.memory_space<vmem>>)
    %scan3A_28 = arith.constant 0 : i32
    %scan3A_29 = arith.constant 0 : i32
    %scan3A_30 = arith.constant 10 : i32
    %scan3A_31 = arith.addi %scan3A_29, %scan3A_30 : i32
    %scan3A_32 = arith.constant 1 : i32
    scf.for %scan3A_126 = %scan3A_29 to %scan3A_31 step %scan3A_32  : i32 {
      %mul3A_127 = arith.constant 16 : i32
      %mul3A_128 = arith.muli %scan3A_126, %mul3A_127 : i32
      %get3A = arith.index_cast %mul3A_128 : i32 to index
      %get3A_129 = tpu.vector_load %arg12[%get3A] {strides = array<i32>} : memref<10000xi32, #tpu.memory_space<vmem>>, vector<16xi32>,
      %ge3A = arith.constant 45000 : i32
      %ge3A_130 = vector.broadcast %ge3A : i32 to vector<16xi32>
      %ge3A_131 = arith.cmpi sge, %get3A_129, %ge3A_130 : vector<16xi32>
      %get3A_132 = arith.index_cast %mul3A_128 : i32 to index
      %get3A_133 = tpu.vector_load %arg10[%get3A_132] {strides = array<i32>} : memref<10000xi32, #tpu.memory_space<vmem>>, vector<16xi32>,
      %get3A_134 = arith.index_cast %mul3A_128 : i32 to index
      %get3A_135 = tpu.vector_load %arg14[%get3A_134] {strides = array<i32>} : memref<10000xf32, #tpu.memory_space<vmem>>, vector<16xf32>,
      %gather3A = tpu.vector_load_idx %arg7[%get3A_133] : memref<50000xf32, #tpu.memory_space<vmem>>[vector<16xi32>], vector<16xf32>,
      %sub3A = arith.constant 45000 : i32
      %sub3A_136 = vector.broadcast %sub3A : i32 to vector<16xi32>
      %sub3A_137 = arith.subi %get3A_129, %sub3A_136 : vector<16xi32>
      %jit3A = arith.constant 0 : i32
      %broadcast_in_dim3A = vector.broadcast %jit3A : i32 to vector<16xi32>
      %select_n3A = arith.select %ge3A_131, %sub3A_137, %broadcast_in_dim3A : vector<16xi1>, vector<16xi32>
      %mul3A_138 = arith.mulf %get3A_135, %gather3A : vector<16xf32>
      tpu.vector_store_idx %arg8[%select_n3A], %mul3A_138 masked %ge3A_131 {add = true} : memref<5120xf32, #tpu.memory_space<vmem>>[vector<16xi32>], vector<16xf32>, vector<16xi1>
    }
    %scan3A_33 = arith.constant 10 : i32
    %parallel_loop3A = arith.constant 10 : i32
    %parallel_loop3A_34 = arith.constant 625 : i32
    %parallel_loop3A_35 = arith.constant 1 : i32
    scf.for %parallel_loop3A_126 = %parallel_loop3A to %parallel_loop3A_34 step %parallel_loop3A_35  : i32 {
      %parallel_loop3A_127 = arith.constant 16 : i32
      %parallel_loop3A_128 = arith.muli %parallel_loop3A_126, %parallel_loop3A_127 : i32
      %parallel_loop3A_129 = arith.index_cast %parallel_loop3A_128 : i32 to index
      %parallel_loop3A_130 = tpu.vector_load %arg12[%parallel_loop3A_129] {strides = array<i32>} : memref<10000xi32, #tpu.memory_space<vmem>>, vector<16xi32>,
      %parallel_loop3A_131 = arith.constant 45000 : i32
      %parallel_loop3A_132 = vector.broadcast %parallel_loop3A_131 : i32 to vector<16xi32>
      %parallel_loop3A_133 = arith.cmpi sge, %parallel_loop3A_130, %parallel_loop3A_132 : vector<16xi32>
      %parallel_loop3A_134 = arith.index_cast %parallel_loop3A_128 : i32 to index
      %parallel_loop3A_135 = tpu.vector_load %arg10[%parallel_loop3A_134] {strides = array<i32>} : memref<10000xi32, #tpu.memory_space<vmem>>, vector<16xi32>,
      %parallel_loop3A_136 = arith.index_cast %parallel_loop3A_128 : i32 to index
      %parallel_loop3A_137 = tpu.vector_load %arg14[%parallel_loop3A_136] {strides = array<i32>} : memref<10000xf32, #tpu.memory_space<vmem>>, vector<16xf32>,
      %parallel_loop3A_138 = tpu.vector_load_idx %arg7[%parallel_loop3A_135] : memref<50000xf32, #tpu.memory_space<vmem>>[vector<16xi32>], vector<16xf32>,
      %parallel_loop3A_139 = arith.constant 45000 : i32
      %parallel_loop3A_140 = vector.broadcast %parallel_loop3A_139 : i32 to vector<16xi32>
      %parallel_loop3A_141 = arith.subi %parallel_loop3A_130, %parallel_loop3A_140 : vector<16xi32>
      %parallel_loop3A_142 = arith.constant 0 : i32
      %parallel_loop3A_143 = vector.broadcast %parallel_loop3A_142 : i32 to vector<16xi32>
      %parallel_loop3A_144 = arith.select %parallel_loop3A_133, %parallel_loop3A_141, %parallel_loop3A_143 : vector<16xi1>, vector<16xi32>
      %parallel_loop3A_145 = arith.mulf %parallel_loop3A_137, %parallel_loop3A_138 : vector<16xf32>
      tpu.vector_store_idx %arg8[%parallel_loop3A_144], %parallel_loop3A_145 masked %parallel_loop3A_133 {add = true} : memref<5120xf32, #tpu.memory_space<vmem>>[vector<16xi32>], vector<16xf32>, vector<16xi1>
    } {sc.loop_unroll_factor = 5 : i64, sc.parallel_access}
    %add3A_36 = arith.constant 20000 : i32
    %add3A_37 = arith.addi %mul3A_2, %add3A_36 : i32
    %dma_start3A_38 = tpu.memref_slice %arg3[%add3A_37] : memref<1600000xi32, #tpu.memory_space<hbm>> -> memref<10000xi32, #tpu.memory_space<hbm>>
    %dma_start3A_39 = tpu.memref_slice %arg3[%add3A_37] : memref<1600000xi32, #tpu.memory_space<hbm>> -> memref<10000xi32, #tpu.memory_space<hbm>>
    tpu.enqueue_dma source(%dma_start3A_39 : memref<10000xi32, #tpu.memory_space<hbm>>) target(%arg10 : memref<10000xi32, #tpu.memory_space<vmem>>) target_semaphore(%arg16 : memref<!tpu.dma_semaphore, #tpu.memory_space<semaphore_mem>>)
    %dma_start3A_40 = tpu.memref_slice %arg4[%add3A_37] : memref<1600000xi32, #tpu.memory_space<hbm>> -> memref<10000xi32, #tpu.memory_space<hbm>>
    %dma_start3A_41 = tpu.memref_slice %arg4[%add3A_37] : memref<1600000xi32, #tpu.memory_space<hbm>> -> memref<10000xi32, #tpu.memory_space<hbm>>
    tpu.enqueue_dma source(%dma_start3A_41 : memref<10000xi32, #tpu.memory_space<hbm>>) target(%arg12 : memref<10000xi32, #tpu.memory_space<vmem>>) target_semaphore(%arg16 : memref<!tpu.dma_semaphore, #tpu.memory_space<semaphore_mem>>)
    %dma_start3A_42 = tpu.memref_slice %arg5[%add3A_37] : memref<1600000xf32, #tpu.memory_space<hbm>> -> memref<10000xf32, #tpu.memory_space<hbm>>
    %dma_start3A_43 = tpu.memref_slice %arg5[%add3A_37] : memref<1600000xf32, #tpu.memory_space<hbm>> -> memref<10000xf32, #tpu.memory_space<hbm>>
    tpu.enqueue_dma source(%dma_start3A_43 : memref<10000xf32, #tpu.memory_space<hbm>>) target(%arg14 : memref<10000xf32, #tpu.memory_space<vmem>>) target_semaphore(%arg16 : memref<!tpu.dma_semaphore, #tpu.memory_space<semaphore_mem>>)
    %dma_wait3A_44 = tpu.memref_slice %arg3[%add3A_16] : memref<1600000xi32, #tpu.memory_space<hbm>> -> memref<10000xi32, #tpu.memory_space<hbm>>
    %dma_wait3A_45 = tpu.memref_slice %arg3[%add3A_16] : memref<1600000xi32, #tpu.memory_space<hbm>> -> memref<10000xi32, #tpu.memory_space<hbm>>
    tpu.wait_dma2 semaphore(%arg17 : memref<!tpu.dma_semaphore, #tpu.memory_space<semaphore_mem>>) src(%dma_wait3A_45 : memref<10000xi32, #tpu.memory_space<hbm>>) dst(%arg11 : memref<10000xi32, #tpu.memory_space<vmem>>)
    %dma_wait3A_46 = tpu.memref_slice %arg4[%add3A_16] : memref<1600000xi32, #tpu.memory_space<hbm>> -> memref<10000xi32, #tpu.memory_space<hbm>>
    %dma_wait3A_47 = tpu.memref_slice %arg4[%add3A_16] : memref<1600000xi32, #tpu.memory_space<hbm>> -> memref<10000xi32, #tpu.memory_space<hbm>>
    tpu.wait_dma2 semaphore(%arg17 : memref<!tpu.dma_semaphore, #tpu.memory_space<semaphore_mem>>) src(%dma_wait3A_47 : memref<10000xi32, #tpu.memory_space<hbm>>) dst(%arg13 : memref<10000xi32, #tpu.memory_space<vmem>>)
    %dma_wait3A_48 = tpu.memref_slice %arg5[%add3A_16] : memref<1600000xf32, #tpu.memory_space<hbm>> -> memref<10000xf32, #tpu.memory_space<hbm>>
    %dma_wait3A_49 = tpu.memref_slice %arg5[%add3A_16] : memref<1600000xf32, #tpu.memory_space<hbm>> -> memref<10000xf32, #tpu.memory_space<hbm>>
    tpu.wait_dma2 semaphore(%arg17 : memref<!tpu.dma_semaphore, #tpu.memory_space<semaphore_mem>>) src(%dma_wait3A_49 : memref<10000xf32, #tpu.memory_space<hbm>>) dst(%arg15 : memref<10000xf32, #tpu.memory_space<vmem>>)
    %scan3A_50 = arith.constant 0 : i32
    %scan3A_51 = arith.constant 0 : i32
    %scan3A_52 = arith.constant 10 : i32
    %scan3A_53 = arith.addi %scan3A_51, %scan3A_52 : i32
    %scan3A_54 = arith.constant 1 : i32
    scf.for %scan3A_126 = %scan3A_51 to %scan3A_53 step %scan3A_54  : i32 {
      %mul3A_127 = arith.constant 16 : i32
      %mul3A_128 = arith.muli %scan3A_126, %mul3A_127 : i32
      %get3A = arith.index_cast %mul3A_128 : i32 to index
      %get3A_129 = tpu.vector_load %arg13[%get3A] {strides = array<i32>} : memref<10000xi32, #tpu.memory_space<vmem>>, vector<16xi32>,
      %ge3A = arith.constant 45000 : i32
      %ge3A_130 = vector.broadcast %ge3A : i32 to vector<16xi32>
      %ge3A_131 = arith.cmpi sge, %get3A_129, %ge3A_130 : vector<16xi32>
      %get3A_132 = arith.index_cast %mul3A_128 : i32 to index
      %get3A_133 = tpu.vector_load %arg11[%get3A_132] {strides = array<i32>} : memref<10000xi32, #tpu.memory_space<vmem>>, vector<16xi32>,
      %get3A_134 = arith.index_cast %mul3A_128 : i32 to index
      %get3A_135 = tpu.vector_load %arg15[%get3A_134] {strides = array<i32>} : memref<10000xf32, #tpu.memory_space<vmem>>, vector<16xf32>,
      %gather3A = tpu.vector_load_idx %arg7[%get3A_133] : memref<50000xf32, #tpu.memory_space<vmem>>[vector<16xi32>], vector<16xf32>,
      %sub3A = arith.constant 45000 : i32
      %sub3A_136 = vector.broadcast %sub3A : i32 to vector<16xi32>
      %sub3A_137 = arith.subi %get3A_129, %sub3A_136 : vector<16xi32>
      %jit3A = arith.constant 0 : i32
      %broadcast_in_dim3A = vector.broadcast %jit3A : i32 to vector<16xi32>
      %select_n3A = arith.select %ge3A_131, %sub3A_137, %broadcast_in_dim3A : vector<16xi1>, vector<16xi32>
      %mul3A_138 = arith.mulf %get3A_135, %gather3A : vector<16xf32>
      tpu.vector_store_idx %arg8[%select_n3A], %mul3A_138 masked %ge3A_131 {add = true} : memref<5120xf32, #tpu.memory_space<vmem>>[vector<16xi32>], vector<16xf32>, vector<16xi1>
    }
    %scan3A_55 = arith.constant 10 : i32
    %parallel_loop3A_56 = arith.constant 10 : i32
    %parallel_loop3A_57 = arith.constant 625 : i32
    %parallel_loop3A_58 = arith.constant 1 : i32
    scf.for %parallel_loop3A_126 = %parallel_loop3A_56 to %parallel_loop3A_57 step %parallel_loop3A_58  : i32 {
      %parallel_loop3A_127 = arith.constant 16 : i32
      %parallel_loop3A_128 = arith.muli %parallel_loop3A_126, %parallel_loop3A_127 : i32
      %parallel_loop3A_129 = arith.index_cast %parallel_loop3A_128 : i32 to index
      %parallel_loop3A_130 = tpu.vector_load %arg13[%parallel_loop3A_129] {strides = array<i32>} : memref<10000xi32, #tpu.memory_space<vmem>>, vector<16xi32>,
      %parallel_loop3A_131 = arith.constant 45000 : i32
      %parallel_loop3A_132 = vector.broadcast %parallel_loop3A_131 : i32 to vector<16xi32>
      %parallel_loop3A_133 = arith.cmpi sge, %parallel_loop3A_130, %parallel_loop3A_132 : vector<16xi32>
      %parallel_loop3A_134 = arith.index_cast %parallel_loop3A_128 : i32 to index
      %parallel_loop3A_135 = tpu.vector_load %arg11[%parallel_loop3A_134] {strides = array<i32>} : memref<10000xi32, #tpu.memory_space<vmem>>, vector<16xi32>,
      %parallel_loop3A_136 = arith.index_cast %parallel_loop3A_128 : i32 to index
      %parallel_loop3A_137 = tpu.vector_load %arg15[%parallel_loop3A_136] {strides = array<i32>} : memref<10000xf32, #tpu.memory_space<vmem>>, vector<16xf32>,
      %parallel_loop3A_138 = tpu.vector_load_idx %arg7[%parallel_loop3A_135] : memref<50000xf32, #tpu.memory_space<vmem>>[vector<16xi32>], vector<16xf32>,
      %parallel_loop3A_139 = arith.constant 45000 : i32
      %parallel_loop3A_140 = vector.broadcast %parallel_loop3A_139 : i32 to vector<16xi32>
      %parallel_loop3A_141 = arith.subi %parallel_loop3A_130, %parallel_loop3A_140 : vector<16xi32>
      %parallel_loop3A_142 = arith.constant 0 : i32
      %parallel_loop3A_143 = vector.broadcast %parallel_loop3A_142 : i32 to vector<16xi32>
      %parallel_loop3A_144 = arith.select %parallel_loop3A_133, %parallel_loop3A_141, %parallel_loop3A_143 : vector<16xi1>, vector<16xi32>
      %parallel_loop3A_145 = arith.mulf %parallel_loop3A_137, %parallel_loop3A_138 : vector<16xf32>
      tpu.vector_store_idx %arg8[%parallel_loop3A_144], %parallel_loop3A_145 masked %parallel_loop3A_133 {add = true} : memref<5120xf32, #tpu.memory_space<vmem>>[vector<16xi32>], vector<16xf32>, vector<16xi1>
    } {sc.loop_unroll_factor = 5 : i64, sc.parallel_access}
    %add3A_59 = arith.constant 30000 : i32
    %add3A_60 = arith.addi %mul3A_2, %add3A_59 : i32
    %dma_start3A_61 = tpu.memref_slice %arg3[%add3A_60] : memref<1600000xi32, #tpu.memory_space<hbm>> -> memref<10000xi32, #tpu.memory_space<hbm>>
    %dma_start3A_62 = tpu.memref_slice %arg3[%add3A_60] : memref<1600000xi32, #tpu.memory_space<hbm>> -> memref<10000xi32, #tpu.memory_space<hbm>>
    tpu.enqueue_dma source(%dma_start3A_62 : memref<10000xi32, #tpu.memory_space<hbm>>) target(%arg11 : memref<10000xi32, #tpu.memory_space<vmem>>) target_semaphore(%arg17 : memref<!tpu.dma_semaphore, #tpu.memory_space<semaphore_mem>>)
    %dma_start3A_63 = tpu.memref_slice %arg4[%add3A_60] : memref<1600000xi32, #tpu.memory_space<hbm>> -> memref<10000xi32, #tpu.memory_space<hbm>>
    %dma_start3A_64 = tpu.memref_slice %arg4[%add3A_60] : memref<1600000xi32, #tpu.memory_space<hbm>> -> memref<10000xi32, #tpu.memory_space<hbm>>
    tpu.enqueue_dma source(%dma_start3A_64 : memref<10000xi32, #tpu.memory_space<hbm>>) target(%arg13 : memref<10000xi32, #tpu.memory_space<vmem>>) target_semaphore(%arg17 : memref<!tpu.dma_semaphore, #tpu.memory_space<semaphore_mem>>)
    %dma_start3A_65 = tpu.memref_slice %arg5[%add3A_60] : memref<1600000xf32, #tpu.memory_space<hbm>> -> memref<10000xf32, #tpu.memory_space<hbm>>
    %dma_start3A_66 = tpu.memref_slice %arg5[%add3A_60] : memref<1600000xf32, #tpu.memory_space<hbm>> -> memref<10000xf32, #tpu.memory_space<hbm>>
    tpu.enqueue_dma source(%dma_start3A_66 : memref<10000xf32, #tpu.memory_space<hbm>>) target(%arg15 : memref<10000xf32, #tpu.memory_space<vmem>>) target_semaphore(%arg17 : memref<!tpu.dma_semaphore, #tpu.memory_space<semaphore_mem>>)
    %dma_wait3A_67 = tpu.memref_slice %arg3[%add3A_37] : memref<1600000xi32, #tpu.memory_space<hbm>> -> memref<10000xi32, #tpu.memory_space<hbm>>
    %dma_wait3A_68 = tpu.memref_slice %arg3[%add3A_37] : memref<1600000xi32, #tpu.memory_space<hbm>> -> memref<10000xi32, #tpu.memory_space<hbm>>
    tpu.wait_dma2 semaphore(%arg16 : memref<!tpu.dma_semaphore, #tpu.memory_space<semaphore_mem>>) src(%dma_wait3A_68 : memref<10000xi32, #tpu.memory_space<hbm>>) dst(%arg10 : memref<10000xi32, #tpu.memory_space<vmem>>)
    %dma_wait3A_69 = tpu.memref_slice %arg4[%add3A_37] : memref<1600000xi32, #tpu.memory_space<hbm>> -> memref<10000xi32, #tpu.memory_space<hbm>>
    %dma_wait3A_70 = tpu.memref_slice %arg4[%add3A_37] : memref<1600000xi32, #tpu.memory_space<hbm>> -> memref<10000xi32, #tpu.memory_space<hbm>>
    tpu.wait_dma2 semaphore(%arg16 : memref<!tpu.dma_semaphore, #tpu.memory_space<semaphore_mem>>) src(%dma_wait3A_70 : memref<10000xi32, #tpu.memory_space<hbm>>) dst(%arg12 : memref<10000xi32, #tpu.memory_space<vmem>>)
    %dma_wait3A_71 = tpu.memref_slice %arg5[%add3A_37] : memref<1600000xf32, #tpu.memory_space<hbm>> -> memref<10000xf32, #tpu.memory_space<hbm>>
    %dma_wait3A_72 = tpu.memref_slice %arg5[%add3A_37] : memref<1600000xf32, #tpu.memory_space<hbm>> -> memref<10000xf32, #tpu.memory_space<hbm>>
    tpu.wait_dma2 semaphore(%arg16 : memref<!tpu.dma_semaphore, #tpu.memory_space<semaphore_mem>>) src(%dma_wait3A_72 : memref<10000xf32, #tpu.memory_space<hbm>>) dst(%arg14 : memref<10000xf32, #tpu.memory_space<vmem>>)
    %scan3A_73 = arith.constant 0 : i32
    %scan3A_74 = arith.constant 0 : i32
    %scan3A_75 = arith.constant 10 : i32
    %scan3A_76 = arith.addi %scan3A_74, %scan3A_75 : i32
    %scan3A_77 = arith.constant 1 : i32
    scf.for %scan3A_126 = %scan3A_74 to %scan3A_76 step %scan3A_77  : i32 {
      %mul3A_127 = arith.constant 16 : i32
      %mul3A_128 = arith.muli %scan3A_126, %mul3A_127 : i32
      %get3A = arith.index_cast %mul3A_128 : i32 to index
      %get3A_129 = tpu.vector_load %arg12[%get3A] {strides = array<i32>} : memref<10000xi32, #tpu.memory_space<vmem>>, vector<16xi32>,
      %ge3A = arith.constant 45000 : i32
      %ge3A_130 = vector.broadcast %ge3A : i32 to vector<16xi32>
      %ge3A_131 = arith.cmpi sge, %get3A_129, %ge3A_130 : vector<16xi32>
      %get3A_132 = arith.index_cast %mul3A_128 : i32 to index
      %get3A_133 = tpu.vector_load %arg10[%get3A_132] {strides = array<i32>} : memref<10000xi32, #tpu.memory_space<vmem>>, vector<16xi32>,
      %get3A_134 = arith.index_cast %mul3A_128 : i32 to index
      %get3A_135 = tpu.vector_load %arg14[%get3A_134] {strides = array<i32>} : memref<10000xf32, #tpu.memory_space<vmem>>, vector<16xf32>,
      %gather3A = tpu.vector_load_idx %arg7[%get3A_133] : memref<50000xf32, #tpu.memory_space<vmem>>[vector<16xi32>], vector<16xf32>,
      %sub3A = arith.constant 45000 : i32
      %sub3A_136 = vector.broadcast %sub3A : i32 to vector<16xi32>
      %sub3A_137 = arith.subi %get3A_129, %sub3A_136 : vector<16xi32>
      %jit3A = arith.constant 0 : i32
      %broadcast_in_dim3A = vector.broadcast %jit3A : i32 to vector<16xi32>
      %select_n3A = arith.select %ge3A_131, %sub3A_137, %broadcast_in_dim3A : vector<16xi1>, vector<16xi32>
      %mul3A_138 = arith.mulf %get3A_135, %gather3A : vector<16xf32>
      tpu.vector_store_idx %arg8[%select_n3A], %mul3A_138 masked %ge3A_131 {add = true} : memref<5120xf32, #tpu.memory_space<vmem>>[vector<16xi32>], vector<16xf32>, vector<16xi1>
    }
    %scan3A_78 = arith.constant 10 : i32
    %parallel_loop3A_79 = arith.constant 10 : i32
    %parallel_loop3A_80 = arith.constant 625 : i32
    %parallel_loop3A_81 = arith.constant 1 : i32
    scf.for %parallel_loop3A_126 = %parallel_loop3A_79 to %parallel_loop3A_80 step %parallel_loop3A_81  : i32 {
      %parallel_loop3A_127 = arith.constant 16 : i32
      %parallel_loop3A_128 = arith.muli %parallel_loop3A_126, %parallel_loop3A_127 : i32
      %parallel_loop3A_129 = arith.index_cast %parallel_loop3A_128 : i32 to index
      %parallel_loop3A_130 = tpu.vector_load %arg12[%parallel_loop3A_129] {strides = array<i32>} : memref<10000xi32, #tpu.memory_space<vmem>>, vector<16xi32>,
      %parallel_loop3A_131 = arith.constant 45000 : i32
      %parallel_loop3A_132 = vector.broadcast %parallel_loop3A_131 : i32 to vector<16xi32>
      %parallel_loop3A_133 = arith.cmpi sge, %parallel_loop3A_130, %parallel_loop3A_132 : vector<16xi32>
      %parallel_loop3A_134 = arith.index_cast %parallel_loop3A_128 : i32 to index
      %parallel_loop3A_135 = tpu.vector_load %arg10[%parallel_loop3A_134] {strides = array<i32>} : memref<10000xi32, #tpu.memory_space<vmem>>, vector<16xi32>,
      %parallel_loop3A_136 = arith.index_cast %parallel_loop3A_128 : i32 to index
      %parallel_loop3A_137 = tpu.vector_load %arg14[%parallel_loop3A_136] {strides = array<i32>} : memref<10000xf32, #tpu.memory_space<vmem>>, vector<16xf32>,
      %parallel_loop3A_138 = tpu.vector_load_idx %arg7[%parallel_loop3A_135] : memref<50000xf32, #tpu.memory_space<vmem>>[vector<16xi32>], vector<16xf32>,
      %parallel_loop3A_139 = arith.constant 45000 : i32
      %parallel_loop3A_140 = vector.broadcast %parallel_loop3A_139 : i32 to vector<16xi32>
      %parallel_loop3A_141 = arith.subi %parallel_loop3A_130, %parallel_loop3A_140 : vector<16xi32>
      %parallel_loop3A_142 = arith.constant 0 : i32
      %parallel_loop3A_143 = vector.broadcast %parallel_loop3A_142 : i32 to vector<16xi32>
      %parallel_loop3A_144 = arith.select %parallel_loop3A_133, %parallel_loop3A_141, %parallel_loop3A_143 : vector<16xi1>, vector<16xi32>
      %parallel_loop3A_145 = arith.mulf %parallel_loop3A_137, %parallel_loop3A_138 : vector<16xf32>
      tpu.vector_store_idx %arg8[%parallel_loop3A_144], %parallel_loop3A_145 masked %parallel_loop3A_133 {add = true} : memref<5120xf32, #tpu.memory_space<vmem>>[vector<16xi32>], vector<16xf32>, vector<16xi1>
    } {sc.loop_unroll_factor = 5 : i64, sc.parallel_access}
    %add3A_82 = arith.constant 40000 : i32
    %add3A_83 = arith.addi %mul3A_2, %add3A_82 : i32
    %dma_start3A_84 = tpu.memref_slice %arg3[%add3A_83] : memref<1600000xi32, #tpu.memory_space<hbm>> -> memref<10000xi32, #tpu.memory_space<hbm>>
    %dma_start3A_85 = tpu.memref_slice %arg3[%add3A_83] : memref<1600000xi32, #tpu.memory_space<hbm>> -> memref<10000xi32, #tpu.memory_space<hbm>>
    tpu.enqueue_dma source(%dma_start3A_85 : memref<10000xi32, #tpu.memory_space<hbm>>) target(%arg10 : memref<10000xi32, #tpu.memory_space<vmem>>) target_semaphore(%arg16 : memref<!tpu.dma_semaphore, #tpu.memory_space<semaphore_mem>>)
    %dma_start3A_86 = tpu.memref_slice %arg4[%add3A_83] : memref<1600000xi32, #tpu.memory_space<hbm>> -> memref<10000xi32, #tpu.memory_space<hbm>>
    %dma_start3A_87 = tpu.memref_slice %arg4[%add3A_83] : memref<1600000xi32, #tpu.memory_space<hbm>> -> memref<10000xi32, #tpu.memory_space<hbm>>
    tpu.enqueue_dma source(%dma_start3A_87 : memref<10000xi32, #tpu.memory_space<hbm>>) target(%arg12 : memref<10000xi32, #tpu.memory_space<vmem>>) target_semaphore(%arg16 : memref<!tpu.dma_semaphore, #tpu.memory_space<semaphore_mem>>)
    %dma_start3A_88 = tpu.memref_slice %arg5[%add3A_83] : memref<1600000xf32, #tpu.memory_space<hbm>> -> memref<10000xf32, #tpu.memory_space<hbm>>
    %dma_start3A_89 = tpu.memref_slice %arg5[%add3A_83] : memref<1600000xf32, #tpu.memory_space<hbm>> -> memref<10000xf32, #tpu.memory_space<hbm>>
    tpu.enqueue_dma source(%dma_start3A_89 : memref<10000xf32, #tpu.memory_space<hbm>>) target(%arg14 : memref<10000xf32, #tpu.memory_space<vmem>>) target_semaphore(%arg16 : memref<!tpu.dma_semaphore, #tpu.memory_space<semaphore_mem>>)
    %dma_wait3A_90 = tpu.memref_slice %arg3[%add3A_60] : memref<1600000xi32, #tpu.memory_space<hbm>> -> memref<10000xi32, #tpu.memory_space<hbm>>
    %dma_wait3A_91 = tpu.memref_slice %arg3[%add3A_60] : memref<1600000xi32, #tpu.memory_space<hbm>> -> memref<10000xi32, #tpu.memory_space<hbm>>
    tpu.wait_dma2 semaphore(%arg17 : memref<!tpu.dma_semaphore, #tpu.memory_space<semaphore_mem>>) src(%dma_wait3A_91 : memref<10000xi32, #tpu.memory_space<hbm>>) dst(%arg11 : memref<10000xi32, #tpu.memory_space<vmem>>)
    %dma_wait3A_92 = tpu.memref_slice %arg4[%add3A_60] : memref<1600000xi32, #tpu.memory_space<hbm>> -> memref<10000xi32, #tpu.memory_space<hbm>>
    %dma_wait3A_93 = tpu.memref_slice %arg4[%add3A_60] : memref<1600000xi32, #tpu.memory_space<hbm>> -> memref<10000xi32, #tpu.memory_space<hbm>>
    tpu.wait_dma2 semaphore(%arg17 : memref<!tpu.dma_semaphore, #tpu.memory_space<semaphore_mem>>) src(%dma_wait3A_93 : memref<10000xi32, #tpu.memory_space<hbm>>) dst(%arg13 : memref<10000xi32, #tpu.memory_space<vmem>>)
    %dma_wait3A_94 = tpu.memref_slice %arg5[%add3A_60] : memref<1600000xf32, #tpu.memory_space<hbm>> -> memref<10000xf32, #tpu.memory_space<hbm>>
    %dma_wait3A_95 = tpu.memref_slice %arg5[%add3A_60] : memref<1600000xf32, #tpu.memory_space<hbm>> -> memref<10000xf32, #tpu.memory_space<hbm>>
    tpu.wait_dma2 semaphore(%arg17 : memref<!tpu.dma_semaphore, #tpu.memory_space<semaphore_mem>>) src(%dma_wait3A_95 : memref<10000xf32, #tpu.memory_space<hbm>>) dst(%arg15 : memref<10000xf32, #tpu.memory_space<vmem>>)
    %scan3A_96 = arith.constant 0 : i32
    %scan3A_97 = arith.constant 0 : i32
    %scan3A_98 = arith.constant 10 : i32
    %scan3A_99 = arith.addi %scan3A_97, %scan3A_98 : i32
    %scan3A_100 = arith.constant 1 : i32
    scf.for %scan3A_126 = %scan3A_97 to %scan3A_99 step %scan3A_100  : i32 {
      %mul3A_127 = arith.constant 16 : i32
      %mul3A_128 = arith.muli %scan3A_126, %mul3A_127 : i32
      %get3A = arith.index_cast %mul3A_128 : i32 to index
      %get3A_129 = tpu.vector_load %arg13[%get3A] {strides = array<i32>} : memref<10000xi32, #tpu.memory_space<vmem>>, vector<16xi32>,
      %ge3A = arith.constant 45000 : i32
      %ge3A_130 = vector.broadcast %ge3A : i32 to vector<16xi32>
      %ge3A_131 = arith.cmpi sge, %get3A_129, %ge3A_130 : vector<16xi32>
      %get3A_132 = arith.index_cast %mul3A_128 : i32 to index
      %get3A_133 = tpu.vector_load %arg11[%get3A_132] {strides = array<i32>} : memref<10000xi32, #tpu.memory_space<vmem>>, vector<16xi32>,
      %get3A_134 = arith.index_cast %mul3A_128 : i32 to index
      %get3A_135 = tpu.vector_load %arg15[%get3A_134] {strides = array<i32>} : memref<10000xf32, #tpu.memory_space<vmem>>, vector<16xf32>,
      %gather3A = tpu.vector_load_idx %arg7[%get3A_133] : memref<50000xf32, #tpu.memory_space<vmem>>[vector<16xi32>], vector<16xf32>,
      %sub3A = arith.constant 45000 : i32
      %sub3A_136 = vector.broadcast %sub3A : i32 to vector<16xi32>
      %sub3A_137 = arith.subi %get3A_129, %sub3A_136 : vector<16xi32>
      %jit3A = arith.constant 0 : i32
      %broadcast_in_dim3A = vector.broadcast %jit3A : i32 to vector<16xi32>
      %select_n3A = arith.select %ge3A_131, %sub3A_137, %broadcast_in_dim3A : vector<16xi1>, vector<16xi32>
      %mul3A_138 = arith.mulf %get3A_135, %gather3A : vector<16xf32>
      tpu.vector_store_idx %arg8[%select_n3A], %mul3A_138 masked %ge3A_131 {add = true} : memref<5120xf32, #tpu.memory_space<vmem>>[vector<16xi32>], vector<16xf32>, vector<16xi1>
    }
    %scan3A_101 = arith.constant 10 : i32
    %parallel_loop3A_102 = arith.constant 10 : i32
    %parallel_loop3A_103 = arith.constant 625 : i32
    %parallel_loop3A_104 = arith.constant 1 : i32
    scf.for %parallel_loop3A_126 = %parallel_loop3A_102 to %parallel_loop3A_103 step %parallel_loop3A_104  : i32 {
      %parallel_loop3A_127 = arith.constant 16 : i32
      %parallel_loop3A_128 = arith.muli %parallel_loop3A_126, %parallel_loop3A_127 : i32
      %parallel_loop3A_129 = arith.index_cast %parallel_loop3A_128 : i32 to index
      %parallel_loop3A_130 = tpu.vector_load %arg13[%parallel_loop3A_129] {strides = array<i32>} : memref<10000xi32, #tpu.memory_space<vmem>>, vector<16xi32>,
      %parallel_loop3A_131 = arith.constant 45000 : i32
      %parallel_loop3A_132 = vector.broadcast %parallel_loop3A_131 : i32 to vector<16xi32>
      %parallel_loop3A_133 = arith.cmpi sge, %parallel_loop3A_130, %parallel_loop3A_132 : vector<16xi32>
      %parallel_loop3A_134 = arith.index_cast %parallel_loop3A_128 : i32 to index
      %parallel_loop3A_135 = tpu.vector_load %arg11[%parallel_loop3A_134] {strides = array<i32>} : memref<10000xi32, #tpu.memory_space<vmem>>, vector<16xi32>,
      %parallel_loop3A_136 = arith.index_cast %parallel_loop3A_128 : i32 to index
      %parallel_loop3A_137 = tpu.vector_load %arg15[%parallel_loop3A_136] {strides = array<i32>} : memref<10000xf32, #tpu.memory_space<vmem>>, vector<16xf32>,
      %parallel_loop3A_138 = tpu.vector_load_idx %arg7[%parallel_loop3A_135] : memref<50000xf32, #tpu.memory_space<vmem>>[vector<16xi32>], vector<16xf32>,
      %parallel_loop3A_139 = arith.constant 45000 : i32
      %parallel_loop3A_140 = vector.broadcast %parallel_loop3A_139 : i32 to vector<16xi32>
      %parallel_loop3A_141 = arith.subi %parallel_loop3A_130, %parallel_loop3A_140 : vector<16xi32>
      %parallel_loop3A_142 = arith.constant 0 : i32
      %parallel_loop3A_143 = vector.broadcast %parallel_loop3A_142 : i32 to vector<16xi32>
      %parallel_loop3A_144 = arith.select %parallel_loop3A_133, %parallel_loop3A_141, %parallel_loop3A_143 : vector<16xi1>, vector<16xi32>
      %parallel_loop3A_145 = arith.mulf %parallel_loop3A_137, %parallel_loop3A_138 : vector<16xf32>
      tpu.vector_store_idx %arg8[%parallel_loop3A_144], %parallel_loop3A_145 masked %parallel_loop3A_133 {add = true} : memref<5120xf32, #tpu.memory_space<vmem>>[vector<16xi32>], vector<16xf32>, vector<16xi1>
    } {sc.loop_unroll_factor = 5 : i64, sc.parallel_access}
    %dma_wait3A_105 = tpu.memref_slice %arg3[%add3A_83] : memref<1600000xi32, #tpu.memory_space<hbm>> -> memref<10000xi32, #tpu.memory_space<hbm>>
    %dma_wait3A_106 = tpu.memref_slice %arg3[%add3A_83] : memref<1600000xi32, #tpu.memory_space<hbm>> -> memref<10000xi32, #tpu.memory_space<hbm>>
    tpu.wait_dma2 semaphore(%arg16 : memref<!tpu.dma_semaphore, #tpu.memory_space<semaphore_mem>>) src(%dma_wait3A_106 : memref<10000xi32, #tpu.memory_space<hbm>>) dst(%arg10 : memref<10000xi32, #tpu.memory_space<vmem>>)
    %dma_wait3A_107 = tpu.memref_slice %arg4[%add3A_83] : memref<1600000xi32, #tpu.memory_space<hbm>> -> memref<10000xi32, #tpu.memory_space<hbm>>
    %dma_wait3A_108 = tpu.memref_slice %arg4[%add3A_83] : memref<1600000xi32, #tpu.memory_space<hbm>> -> memref<10000xi32, #tpu.memory_space<hbm>>
    tpu.wait_dma2 semaphore(%arg16 : memref<!tpu.dma_semaphore, #tpu.memory_space<semaphore_mem>>) src(%dma_wait3A_108 : memref<10000xi32, #tpu.memory_space<hbm>>) dst(%arg12 : memref<10000xi32, #tpu.memory_space<vmem>>)
    %dma_wait3A_109 = tpu.memref_slice %arg5[%add3A_83] : memref<1600000xf32, #tpu.memory_space<hbm>> -> memref<10000xf32, #tpu.memory_space<hbm>>
    %dma_wait3A_110 = tpu.memref_slice %arg5[%add3A_83] : memref<1600000xf32, #tpu.memory_space<hbm>> -> memref<10000xf32, #tpu.memory_space<hbm>>
    tpu.wait_dma2 semaphore(%arg16 : memref<!tpu.dma_semaphore, #tpu.memory_space<semaphore_mem>>) src(%dma_wait3A_110 : memref<10000xf32, #tpu.memory_space<hbm>>) dst(%arg14 : memref<10000xf32, #tpu.memory_space<vmem>>)
    %scan3A_111 = arith.constant 0 : i32
    %scan3A_112 = arith.constant 0 : i32
    %scan3A_113 = arith.constant 10 : i32
    %scan3A_114 = arith.addi %scan3A_112, %scan3A_113 : i32
    %scan3A_115 = arith.constant 1 : i32
    scf.for %scan3A_126 = %scan3A_112 to %scan3A_114 step %scan3A_115  : i32 {
      %mul3A_127 = arith.constant 16 : i32
      %mul3A_128 = arith.muli %scan3A_126, %mul3A_127 : i32
      %get3A = arith.index_cast %mul3A_128 : i32 to index
      %get3A_129 = tpu.vector_load %arg12[%get3A] {strides = array<i32>} : memref<10000xi32, #tpu.memory_space<vmem>>, vector<16xi32>,
      %ge3A = arith.constant 45000 : i32
      %ge3A_130 = vector.broadcast %ge3A : i32 to vector<16xi32>
      %ge3A_131 = arith.cmpi sge, %get3A_129, %ge3A_130 : vector<16xi32>
      %get3A_132 = arith.index_cast %mul3A_128 : i32 to index
      %get3A_133 = tpu.vector_load %arg10[%get3A_132] {strides = array<i32>} : memref<10000xi32, #tpu.memory_space<vmem>>, vector<16xi32>,
      %get3A_134 = arith.index_cast %mul3A_128 : i32 to index
      %get3A_135 = tpu.vector_load %arg14[%get3A_134] {strides = array<i32>} : memref<10000xf32, #tpu.memory_space<vmem>>, vector<16xf32>,
      %gather3A = tpu.vector_load_idx %arg7[%get3A_133] : memref<50000xf32, #tpu.memory_space<vmem>>[vector<16xi32>], vector<16xf32>,
      %sub3A = arith.constant 45000 : i32
      %sub3A_136 = vector.broadcast %sub3A : i32 to vector<16xi32>
      %sub3A_137 = arith.subi %get3A_129, %sub3A_136 : vector<16xi32>
      %jit3A = arith.constant 0 : i32
      %broadcast_in_dim3A = vector.broadcast %jit3A : i32 to vector<16xi32>
      %select_n3A = arith.select %ge3A_131, %sub3A_137, %broadcast_in_dim3A : vector<16xi1>, vector<16xi32>
      %mul3A_138 = arith.mulf %get3A_135, %gather3A : vector<16xf32>
      tpu.vector_store_idx %arg8[%select_n3A], %mul3A_138 masked %ge3A_131 {add = true} : memref<5120xf32, #tpu.memory_space<vmem>>[vector<16xi32>], vector<16xf32>, vector<16xi1>
    }
    %scan3A_116 = arith.constant 10 : i32
    %parallel_loop3A_117 = arith.constant 10 : i32
    %parallel_loop3A_118 = arith.constant 625 : i32
    %parallel_loop3A_119 = arith.constant 1 : i32
    scf.for %parallel_loop3A_126 = %parallel_loop3A_117 to %parallel_loop3A_118 step %parallel_loop3A_119  : i32 {
      %parallel_loop3A_127 = arith.constant 16 : i32
      %parallel_loop3A_128 = arith.muli %parallel_loop3A_126, %parallel_loop3A_127 : i32
      %parallel_loop3A_129 = arith.index_cast %parallel_loop3A_128 : i32 to index
      %parallel_loop3A_130 = tpu.vector_load %arg12[%parallel_loop3A_129] {strides = array<i32>} : memref<10000xi32, #tpu.memory_space<vmem>>, vector<16xi32>,
      %parallel_loop3A_131 = arith.constant 45000 : i32
      %parallel_loop3A_132 = vector.broadcast %parallel_loop3A_131 : i32 to vector<16xi32>
      %parallel_loop3A_133 = arith.cmpi sge, %parallel_loop3A_130, %parallel_loop3A_132 : vector<16xi32>
      %parallel_loop3A_134 = arith.index_cast %parallel_loop3A_128 : i32 to index
      %parallel_loop3A_135 = tpu.vector_load %arg10[%parallel_loop3A_134] {strides = array<i32>} : memref<10000xi32, #tpu.memory_space<vmem>>, vector<16xi32>,
      %parallel_loop3A_136 = arith.index_cast %parallel_loop3A_128 : i32 to index
      %parallel_loop3A_137 = tpu.vector_load %arg14[%parallel_loop3A_136] {strides = array<i32>} : memref<10000xf32, #tpu.memory_space<vmem>>, vector<16xf32>,
      %parallel_loop3A_138 = tpu.vector_load_idx %arg7[%parallel_loop3A_135] : memref<50000xf32, #tpu.memory_space<vmem>>[vector<16xi32>], vector<16xf32>,
      %parallel_loop3A_139 = arith.constant 45000 : i32
      %parallel_loop3A_140 = vector.broadcast %parallel_loop3A_139 : i32 to vector<16xi32>
      %parallel_loop3A_141 = arith.subi %parallel_loop3A_130, %parallel_loop3A_140 : vector<16xi32>
      %parallel_loop3A_142 = arith.constant 0 : i32
      %parallel_loop3A_143 = vector.broadcast %parallel_loop3A_142 : i32 to vector<16xi32>
      %parallel_loop3A_144 = arith.select %parallel_loop3A_133, %parallel_loop3A_141, %parallel_loop3A_143 : vector<16xi1>, vector<16xi32>
      %parallel_loop3A_145 = arith.mulf %parallel_loop3A_137, %parallel_loop3A_138 : vector<16xf32>
      tpu.vector_store_idx %arg8[%parallel_loop3A_144], %parallel_loop3A_145 masked %parallel_loop3A_133 {add = true} : memref<5120xf32, #tpu.memory_space<vmem>>[vector<16xi32>], vector<16xf32>, vector<16xi1>
    } {sc.loop_unroll_factor = 5 : i64, sc.parallel_access}
    %scan3A_120 = arith.constant 0 : i32
    %scan3A_121 = arith.constant 0 : i32
    %scan3A_122 = arith.constant 320 : i32
    %scan3A_123 = arith.addi %scan3A_121, %scan3A_122 : i32
    %scan3A_124 = arith.constant 1 : i32
    scf.for %scan3A_126 = %scan3A_121 to %scan3A_123 step %scan3A_124  : i32 {
      %mul3A_127 = arith.constant 16 : i32
      %mul3A_128 = arith.muli %scan3A_126, %mul3A_127 : i32
      %get3A = arith.index_cast %mul3A_128 : i32 to index
      %get3A_129 = tpu.vector_load %arg8[%get3A] {strides = array<i32>} : memref<5120xf32, #tpu.memory_space<vmem>>, vector<16xf32>,
      %mul3A_130 = arith.constant 16 : i32
      %mul3A_131 = arith.muli %scan3A_126, %mul3A_130 : i32
      %swap3A = arith.index_cast %mul3A_131 : i32 to index
      %swap3A_132 = tpu.vector_load %arg9[%swap3A] {strides = array<i32>} : memref<5120xf32, #tpu.memory_space<vmem>>, vector<16xf32>,
      tpu.vector_store %arg9[%swap3A], %get3A_129 {strides = array<i32>} : memref<5120xf32, #tpu.memory_space<vmem>>, vector<16xf32>,
    }
    %scan3A_125 = arith.constant 320 : i32
    "tpu.region"() ({
      %run_scoped3A = tpu.sem_alloc : memref<!tpu.dma_semaphore, #tpu.memory_space<semaphore_mem>>
      %dma_start3A_126 = arith.constant 0 : i32
      %dma_start3A_127 = tpu.memref_slice %arg6[%add3A, %dma_start3A_126] : memref<32x5120xf32, #tpu.memory_space<hbm>> -> memref<1x5120xf32, #tpu.memory_space<hbm>>
      %dma_start3A_128 = tpu.memref_squeeze %dma_start3A_127 : memref<1x5120xf32, #tpu.memory_space<hbm>> -> memref<5120xf32, #tpu.memory_space<hbm>>
      %dma_start3A_129 = arith.constant 0 : i32
      %dma_start3A_130 = tpu.memref_slice %arg6[%add3A, %dma_start3A_129] : memref<32x5120xf32, #tpu.memory_space<hbm>> -> memref<1x5120xf32, #tpu.memory_space<hbm>>
      %dma_start3A_131 = tpu.memref_squeeze %dma_start3A_130 : memref<1x5120xf32, #tpu.memory_space<hbm>> -> memref<5120xf32, #tpu.memory_space<hbm>>
      tpu.enqueue_dma source(%arg9 : memref<5120xf32, #tpu.memory_space<vmem>>) target(%dma_start3A_131 : memref<5120xf32, #tpu.memory_space<hbm>>) target_semaphore(%run_scoped3A : memref<!tpu.dma_semaphore, #tpu.memory_space<semaphore_mem>>)
      %dma_wait3A_132 = arith.constant 0 : i32
      %dma_wait3A_133 = tpu.memref_slice %arg6[%add3A, %dma_wait3A_132] : memref<32x5120xf32, #tpu.memory_space<hbm>> -> memref<1x5120xf32, #tpu.memory_space<hbm>>
      %dma_wait3A_134 = tpu.memref_squeeze %dma_wait3A_133 : memref<1x5120xf32, #tpu.memory_space<hbm>> -> memref<5120xf32, #tpu.memory_space<hbm>>
      %dma_wait3A_135 = arith.constant 0 : i32
      %dma_wait3A_136 = tpu.memref_slice %arg6[%add3A, %dma_wait3A_135] : memref<32x5120xf32, #tpu.memory_space<hbm>> -> memref<1x5120xf32, #tpu.memory_space<hbm>>
      %dma_wait3A_137 = tpu.memref_squeeze %dma_wait3A_136 : memref<1x5120xf32, #tpu.memory_space<hbm>> -> memref<5120xf32, #tpu.memory_space<hbm>>
      tpu.wait_dma2 semaphore(%run_scoped3A : memref<!tpu.dma_semaphore, #tpu.memory_space<semaphore_mem>>) src(%arg9 : memref<5120xf32, #tpu.memory_space<vmem>>) dst(%dma_wait3A_137 : memref<5120xf32, #tpu.memory_space<hbm>>)
      tpu.yield
    }) : () -> ()
    return
  }
}

module attributes {stable_mosaic.version = 14 : i64} {
  func.func @_tc_tail_body(%arg0: memref<32x5120xf32, #tpu.memory_space<vmem>>, %arg1: memref<50000xf32, #tpu.memory_space<vmem>>, %arg2: memref<5000xf32, #tpu.memory_space<vmem>>) attributes {dimension_semantics = [], scalar_prefetch = 0 : i64, scratch_operands = 0 : i64, tpu.core_type = #tpu.core_type<tc>} {
    %get3A = arith.constant 0 : index
    %get3A_0 = arith.constant 0 : index
    %get3A_1 = vector.load %arg0[%get3A, %get3A_0] : memref<32x5120xf32, #tpu.memory_space<vmem>>, vector<32x5120xf32>
    %reduce_sum3A = arith.constant dense<0.000000e+00> : vector<5120xf32>
    %reduce_sum3A_2 = vector.multi_reduction <add>, %get3A_1, %reduce_sum3A [0] : vector<32x5120xf32> to vector<5120xf32>
    %slice3A = vector.extract_strided_slice %reduce_sum3A_2 {offsets = [0], sizes = [5000], strides = [1]} : vector<5120xf32> to vector<5000xf32>
    %get3A_3 = arith.constant 45000 : index
    %get3A_4 = vector.load %arg1[%get3A_3] : memref<50000xf32, #tpu.memory_space<vmem>>, vector<5000xf32>
    %add3A = arith.addf %slice3A, %get3A_4 : vector<5000xf32>
    %tanh3A = math.tanh %add3A : vector<5000xf32>
    %swap3A = arith.constant 0 : index
    %swap3A_5 = vector.load %arg2[%swap3A] : memref<5000xf32, #tpu.memory_space<vmem>>, vector<5000xf32>
    tpu.vector_store %arg2[%swap3A], %tanh3A {strides = array<i32>} : memref<5000xf32, #tpu.memory_space<vmem>>, vector<5000xf32>,
    return
  }
}

</mosaic_0001>

<sc_bundles>
// kernel: kernel.4.cloned.1.call-start
scs
__scs_entry_jumppad:
0x0: {  	(pc) =	sbr.rel $0x88, $3  }
0x1: {  	(tag) =	ssettag $0x0;
	lr =	simm.s32 $0x1  }
0x2: {  	[smem:$0x3F9C] =	sst lr;
	_ =	strace $0xD0000000  }
0x3: {  	_ = 	snop  }
0x4: {  	_ = 	snop  }
0x5: {  	_ = 	snop  }
0x6: {  	_ = 	snop  }
0x7: {  	_ = 	snop  }
__scs_overlays_trampoline_lowered:
0x8: {  	[smem:$0x3FAB] =	sst s0  }
0x9: {  	[smem:$0x3FAC] =	sst s1  }
0xa: {  	[smem:$0x3FAD] =	sst s2  }
0xb: {  	[smem:$0x3FAE] =	sst s3  }
0xc: {  	[smem:$0x3FAF] =	sst s4  }
0xd: {  	[smem:$0x3FB0] =	sst s5  }
0xe: {  	[smem:$0x3FB1] =	sst s6  }
0xf: {  	[smem:$0x3FB2] =	sst s7  }
0x10: {  	[smem:$0x3FB3] =	sst s8  }
0x11: {  	[smem:$0x3FB4] =	sst s9;
	s0 =	simm.s32 @!p0 $0x0  }
0x12: {  	s1 =	sld [smem:$0x3F9A];
	s0 =	simm.s32 @p0 $0x1  }
0x13: {  	[smem:$0x3FB5] =	sst s0;
	s0 =	simm.s32 @!p1 $0x0  }
0x14: {  	s2 =	sld [smem:$0x3F99];
	s0 =	simm.s32 @p1 $0x1  }
0x15: {  	[smem:$0x3FB6] =	sst s0;
	s0 =	simm.s32 @!p2 $0x0  }
0x16: {  	s3 =	sld [smem:$0x3FDB];
	s0 =	simm.s32 @p2 $0x1  }
0x17: {  	s4 =	simm.s32 $0x1BF5;
	[smem:$0x3FB8] =	sst s0  }
0x18: {  	s0 =	sld [smem:$0x3F9B];
	_ =	swait.ge [sflag:s4], $0x0  }
0x19: {  	s7 =	sld [smem:$0x3F9C]  }
0x1a: {  	s8 =	sadd.s32 $0xFFFFE003, lr  }
0x1b: {  	s9 =	sadd.s32 $0xFFFFFEF7, lr;
	s5 =	simm.s32 $0xFFFFFFFF;
	p2 =	slt.u32 s8, $0xFFFFF086  }
0x1c: {  	p1 =	slt.u32 s9, $0xF7A;
	s5 =	simm.s32 @!p2 $0x0  }
0x1d: {  	s5 =	simm.s32 @p1 $0x1;
	p0 =	seq.s32 s7, s2  }
0x1e: {  	s7 =	smul.u32 @!p0 $0xF7A, s2;
	p2 =	seq.s32 @!p0 s5, $0x0  }
0x1f: {  	s9 =	smul.u32 $0xF7A, s1;
	s8 =	simm.s32 @!p0 $0x1BF5;
	p2 =	por !p2, p0  }
0x20: {  	[sflag:s8] =	ssyncset.s32 @!p0 $0xFFFFF086;
	s6 =	sadd.s32 @!p0 s3, s7;
	s7 =	simm.s32 @!p0 $0x108  }
0x21: {  	s3 =	sadd.s32 s3, s9;
	s6 =	sadd.s32 @!p0 $0x88, s6;
	s7 =	simm.s32 @p2 $0x1082  }
0x22: {  	[simem:s7], [sflag:s8] =	dma.local @!p0 [hbm:s6], $0xF7A  }
0x23: {  	s9 =	sor.u32 $0xD0000000, s2;
	s6 =	simm.s32 $0x108;
	_ =	swait.ge @!p0 [sflag:s8], $0x0  }
0x24: {  	s3 =	sadd.s32 $0x88, s3;
	s6 =	simm.s32 @!p1 $0x1082;
	[sflag:s4] =	ssyncset.s32 $0xFFFFF086  }
0x25: {  	[simem:s6], [sflag:s4] =	dma.local [hbm:s3], $0xF7A  }
0x26: {  	[smem:$0x3F9C] =	sst s1;
	(tag) =	ssettag s2;
	_ =	strace s9  }
0x27: {  	s1 =	sld [smem:$0x3FAC]  }
0x28: {  	s2 =	sld [smem:$0x3FAD]  }
0x29: {  	s4 =	sld [smem:$0x3FAF]  }
0x2a: {  	p0 =	seq.s32 s5, $0x0;
	s5 =	sld [smem:$0x3FB0]  }
0x2b: {  	s6 =	sld [smem:$0x3FB1]  }
0x2c: {  	s7 =	sld [smem:$0x3FB2]  }
0x2d: {  	s3 =	simm.s32 $0x108;
	s8 =	sld [smem:$0x3FB3]  }
0x2e: {  	s3 =	simm.s32 @!p0 $0x1082;
	s9 =	sld [smem:$0x3FB4]  }
0x2f: {  	lr =	sadd.s32 s0, s3;
	s0 =	sld [smem:$0x3FAB]  }
0x30: {  	s3 =	sld [smem:$0x3FAE]  }
0x31: {  	[smem:$0x3FB7] =	sst s10  }
0x32: {  	s10 =	sld [smem:$0x3FB5];
	_ =	sdelay $0x3  }
0x33: {  	p0 =	seq.s32 s10, $0x1;
	s10 =	sld [smem:$0x3FB7];
	_ =	sdelay $0x3  }
0x34: {  	[smem:$0x3FB7] =	sst s10  }
0x35: {  	s10 =	sld [smem:$0x3FB6];
	_ =	sdelay $0x3  }
0x36: {  	p1 =	seq.s32 s10, $0x1;
	s10 =	sld [smem:$0x3FB7];
	_ =	sdelay $0x3  }
0x37: {  	[smem:$0x3FB7] =	sst s10  }
0x38: {  	s10 =	sld [smem:$0x3FB8]  }
0x39: {  	_ = 	snop;
	(pc) =	sbr.ind lr, $3  }
0x3a: {  	_ = 	snop  }
0x3b: {  	_ = 	snop  }
0x3c: {  	p2 =	seq.s32 s10, $0x1;
	s10 =	sld [smem:$0x3FB7]  }
0x3d: {  	_ =	shalt  }
0x3e: {  	_ =	shalt  }
0x3f: {  	_ =	shalt  }
0x40: {  	_ =	shalt  }
0x41: {  	_ =	shalt  }
0x42: {  	_ =	shalt  }
0x43: {  	_ =	shalt  }
0x44: {  	_ =	shalt  }
0x45: {  	_ =	shalt  }
0x46: {  	_ =	shalt  }
0x47: {  	_ =	shalt  }
0x48: {  	_ =	shalt  }
0x49: {  	_ =	shalt  }
0x4a: {  	_ =	shalt  }
0x4b: {  	_ =	shalt  }
0x4c: {  	_ =	shalt  }
0x4d: {  	_ =	shalt  }
0x4e: {  	_ =	shalt  }
0x4f: {  	_ =	shalt  }
0x50: {  	_ =	shalt  }
0x51: {  	_ =	shalt  }
0x52: {  	_ =	shalt  }
0x53: {  	_ =	shalt  }
0x54: {  	_ =	shalt  }
0x55: {  	_ =	shalt  }
0x56: {  	_ =	shalt  }
0x57: {  	_ =	shalt  }
0x58: {  	_ =	shalt  }
0x59: {  	_ =	shalt  }
0x5a: {  	_ =	shalt  }
0x5b: {  	_ =	shalt  }
0x5c: {  	_ =	shalt  }
0x5d: {  	_ =	shalt  }
0x5e: {  	_ =	shalt  }
0x5f: {  	_ =	shalt  }
0x60: {  	_ =	shalt  }
0x61: {  	_ =	shalt  }
0x62: {  	_ =	shalt  }
0x63: {  	_ =	shalt  }
0x64: {  	_ =	shalt  }
0x65: {  	_ =	shalt  }
0x66: {  	_ =	shalt  }
0x67: {  	_ =	shalt  }
0x68: {  	_ =	shalt  }
0x69: {  	_ =	shalt  }
0x6a: {  	_ =	shalt  }
0x6b: {  	_ =	shalt  }
0x6c: {  	_ =	shalt  }
0x6d: {  	_ =	shalt  }
0x6e: {  	_ =	shalt  }
0x6f: {  	_ =	shalt  }
0x70: {  	_ =	shalt  }
0x71: {  	_ =	shalt  }
0x72: {  	_ =	shalt  }
0x73: {  	_ =	shalt  }
0x74: {  	_ =	shalt  }
0x75: {  	_ =	shalt  }
0x76: {  	_ =	shalt  }
0x77: {  	_ =	shalt  }
0x78: {  	_ =	shalt  }
0x79: {  	_ =	shalt  }
0x7a: {  	_ =	shalt  }
0x7b: {  	_ =	shalt  }
0x7c: {  	_ =	shalt  }
0x7d: {  	_ =	shalt  }
0x7e: {  	_ =	shalt  }
0x7f: {  	_ =	shalt  }
0x80: {  	_ =	shalt  }
0x81: {  	_ =	shalt  }
0x82: {  	_ =	shalt  }
0x83: {  	_ =	shalt  }
0x84: {  	_ =	shalt  }
0x85: {  	_ =	shalt  }
0x86: {  	_ =	shalt  }
0x87: {  	_ =	shalt  }
.Lfunc_end0:
.L_simem_size_0:
called_computation_lowered:
.L_overlay_start_0:
0x88: {  	s2 =	sld [smem:$0x3FD9]  }
0x89: {  	s3 =	sld [smem:$0x3FFE];
	_ =	sdelay $0x1  }
0x8a: {  	s1 =	srdreg.scid  }
0x8b: {  	s0 =	sand.u32 $0x1, s1  }
0x8c: {  	s17 =	sshll.u32 s0, $0xA;
	s2 =	sadd.s32 s3, s2  }
0x8d: {  	s2 =	sadd.s32 s2, s17  }
0x8e: {  	[smem:$0x3FC3] =	sst s2  }
0x8f: {  	_ = 	snop  }
0x90: {  	s2 =	sld [smem:$0x3FC9]  }
0x91: {  	s18 =	sld [smem:$0x3FC8]  }
0x92: {  	s4 =	sld [smem:$0x3FC6]  }
0x93: {  	s5 =	sld [smem:$0x3FC5];
	(tm) =	ssettm $0x1  }
0x94: {  	s6 =	sld [smem:$0x3FFB];
	_ =	sdelay $0x3  }
0x95: {  	_ =	strace s6  }
0x96: {  	s6 =	sld [smem:$0x3FFC];
	_ =	sdelay $0x3  }
0x97: {  	_ =	strace s6  }
0x98: {  	s6 =	sld [smem:$0x3FFD];
	_ =	sdelay $0x3  }
0x99: {  	_ =	strace s6  }
0x9a: {  	_ =	strace $0x8FFFFFFF  }
0x9b: {  	s19 =	sld [smem:$0x3FDB];
	_ =	sdelay $0x1  }
0x9c: {  	s7 =	simm.s32 $_scs_section_size  }
0x9d: {  	s8 =	simm.s32 $_size__tile_overlayer_lowered;
	s9 =	simm.s32 $_tile_overlayer_lowered  }
0x9e: {  	s22 =	simm.s32 $0x1BFF;
	s21 =	sshll.u32 s9, $0x1;
	s6 =	sadd.s32 s7, s19  }
0x9f: {  	s10 =	simm.s32 $0x0;
	s20 =	sshll.u32 s8, $0x1;
	s8 =	sadd.s32 s21, s6  }
0xa0: {  	[timem:s10], [sflag:s22] =	dma.local [hbm:s8], s20  }
0xa1: {  	_ =	swait.ge [sflag:s22], s20  }
0xa2: {  	s7 =	ssub.s32 $0x0, s20;
	[sflag:s22] =	ssyncset.done $0x0  }
0xa3: {  	[sflag:s22] =	ssyncadd.s32 s7;
	_ =	sdelay $0x1  }
0xa4: {  	s23 =	simm.s32 $0x1B8B  }
0xa5: {  	_ =	swait.ge [sflag:s23], $0x1  }
0xa6: {  	[sflag:s23] =	ssyncset.done $0x0  }
0xa7: {  	s25 =	simm.s32 $0x1B8E;
	s24 =	sld [smem:$0x3FFE];
	[sflag:s23] =	ssyncadd.s32 $0xFFFFFFFF  }
0xa8: {  	s26 =	simm.s32 $execute0_lowered;
	[smem:$0x3FD2] =	sst s25  }
0xa9: {  	s8 =	sshll.u32 s26, $0x1;
	_ =	strace $0x80000046;
	[dreg:$0x1] =	wrdreg $0xFFFFFFFF  }
0xaa: {  	s28 =	simm.s32 $_size_execute0_lowered;
	s6 =	sadd.s32 s6, s8;
	[dreg:$0x0] =	wrdreg $0x0  }
0xab: {  	s8 =	sshll.u32 s28, $0x1;
	[dreg:$0x2] =	wrdreg s6  }
0xac: {  	[dreg:$0x3] =	wrdreg s8  }
0xad: {  	[dreg:$0x4] =	wrdreg $0xC0  }
0xae: {  	_ =	task [dreg:s10], $0x5FFFF  }
0xaf: {  	[dreg:$0x1] =	wrdreg $0xFFFFFFFF  }
0xb0: {  	[dreg:$0x0] =	wrdreg $0x60  }
0xb1: {  	[dreg:$0x2] =	wrdreg s2  }
0xb2: {  	[dreg:$0x3] =	wrdreg s4  }
0xb3: {  	[dreg:$0x4] =	wrdreg s5  }
0xb4: {  	[dreg:$0x5] =	wrdreg s18  }
0xb5: {  	[dreg:$0x6] =	wrdreg s24  }
0xb6: {  	[dreg:$0x7] =	wrdreg $0x9  }
0xb7: {  	_ =	task.clear_ibuf [dreg:s10], $0x8FFFF;
	_ =	strace $0x90000046  }
0xb8: {  	s29 =	simm.s32 $0x9;
	_ =	strace $0x80000048  }
0xb9: {  	_ =	swait.ge [sflag:s29], $0x1  }
0xba: {  	[sflag:s29] =	ssyncadd.s32 $0xFFFFFFFF  }
0xbb: {  	_ =	strace $0x90000048  }
0xbc: {  	_ =	sfence  }
0xbd: {  	s30 =	sld [smem:$0x0];
	_ =	sdelay $0x2  }
0xbe: {  	s31 =	sshll.u32 s1, $0xD;
	s1 =	sshrl.u32 s1, $0x2  }
0xbf: {  	s3 =	sand.u32 $0x4000, s31;
	s1 =	sadd.s32 s1, s30  }
0xc0: {  	s0 =	sor.u32 s3, s0;
	s1 =	sshll.u32 s1, $0x11  }
0xc1: {  	s0 =	sor.u32 s1, s0  }
0xc2: {  	s0 =	sadd.s32 $0x8F2B, s0  }
0xc3: {  	[sflag:s0] =	ssyncadd.remote.s32 $0x1  }
0xc4: {  	_ =	sfence.sel $0xFFFF  }
0xc5: {  	[dreg:$0x0] =	wrdreg $0xFFFFFFFF;
	(pc) =	sbr.abs _section_cstart, $3  }
0xc6: {  	[dreg:$0x1] =	wrdreg $0xFFFFFFFF  }
0xc7: {  	_ =	task.clear_ibuf [dreg:s10], $0x2FFFF;
	_ =	strace $0x9FFFFFFF  }
0xc8: {  	(tm) =	ssettm $0x7FFFFFFF  }
0xc9: {  	_ =	shalt  }
tec
execute0_lowered:
.L_overlay_start_1:
0x0: {  	(tag) =	ssettag $0x1  }
0x1: {  	s0 =	rddreg [dreg:$0x1]  }
0x2: {  	s1 =	rddreg [dreg:$0x2]  }
0x3: {  	s2 =	rddreg [dreg:$0x3];
	s3 =	srdreg.scid  }
0x4: {  	s7 =	stileid.u32;
	s4 =	rddreg [dreg:$0x4]  }
0x5: {  	s21 =	simm.s32 $0xEB80;
	s28 =	simm.s32 $0x1B100;
	s29 =	simm.s32 $0x1  }
0x6: {  	s30 =	simm.s32 $0xC380;
	s31 =	simm.s32 $0x2;
	s5 =	sand.u32 $0x1, s3  }
0x7: {  	s22 =	sshll.u32 s7, $0x1;
	s7 =	sshrl.u32 s7, $0x2;
	s3 =	simm.s32 $0x0  }
0x8: {  	s6 =	sor.u32 s5, s22;
	s7 =	smul.u32 $0xA000, s7;
	[smem:$0x7FF] =	sst s3  }
0x9: {  	s5 =	ssub.s32 $0x2, s5;
	s22 =	simm.s32 $0x13A80;
	s8 =	sshll.u32 s6, $0x7  }
0xa: {  	s6 =	smul.u32 $0xC350, s6;
	_ =	strace $0x80000047;
	s23 =	sshrl.u32 s5, $0x1  }
0xb: {  	s8 =	sand.u32 $0x380, s8;
	s5 =	ssub.s32 s5, s23;
	s23 =	simm.s32 $0x18980  }
0xc: {  	s7 =	sor.u32 s7, s8;
	s6 =	sshrl.u32 s6, $0x3;
	s20 =	smax.u32 s5, $0x1  }
0xd: {  	s7 =	sshrl.u32 s7, $0x3;
	s24 =	sadd.s32 s0, s6;
	s25 =	sadd.s32 s1, s6  }
0xe: {  	s9 =	sadd.s32 $0x4E2, s6;
	s26 =	sadd.s32 s2, s6;
	[dreg:$0x6] =	wrdreg s24  }
0xf: {  	s12 =	sadd.s32 $0x9C4, s6;
	s15 =	sadd.s32 $0xEA6, s6;
	[dreg:$0x7] =	wrdreg s25  }
0x10: {  	s6 =	sadd.s32 $0x1388, s6;
	s4 =	sadd.s32 s7, s4;
	[dreg:$0x8] =	wrdreg s26  }
0x11: {  	s7 =	sadd.s32 s0, s9;
	s8 =	sadd.s32 s1, s9;
	s9 =	sadd.s32 s2, s9  }
0x12: {  	s10 =	sadd.s32 s0, s12;
	s11 =	sadd.s32 s1, s12;
	s12 =	sadd.s32 s2, s12  }
0x13: {  	s13 =	sadd.s32 s0, s15;
	s14 =	sadd.s32 s1, s15;
	s15 =	sadd.s32 s2, s15  }
0x14: {  	s16 =	sadd.s32 s0, s6;
	s17 =	sadd.s32 s1, s6;
	s18 =	sadd.s32 s2, s6  }
0x15: {  	s24 =	simm.s32 $0x3;
	s25 =	simm.s32 $0x11300;
	s26 =	simm.s32 $0x16200  }
0x16: {  	v0 =	vimm.f32 $0.0e+00;
	s2 =	simm.s32 $0x4;
	s1 =	simm.s32 $0x0;
	s19 =	sadd.s32 $0x800, s4  }
.LBB2_1:
0x17: {  	s0 =	rddreg [dreg:$0x0]  }
0x18: {  	[tilespmem:s3], [sflag:$0x3] =	stream.linear.gather [hbm4b:s0+s3], $0xC380, $0x38;
	[tilespmem:$0x1D880] =	vst v63  }
0x19: {  	s4 =	rddreg [dreg:$0x6]  }
0x1a: {  	[tilespmem:s21], [sflag:$0x1] =	stream.linear.gather [hbm4b:s4+s3], $0x2710, $0x38;
	[tilespmem:$0x1D880] =	vst v63  }
0x1b: {  	s5 =	rddreg [dreg:$0x7]  }
0x1c: {  	[tilespmem:s22], [sflag:$0x1] =	stream.linear.gather [hbm4b:s5+s3], $0x2710, $0x38;
	[tilespmem:$0x1D880] =	vst v63  }
0x1d: {  	s6 =	rddreg [dreg:$0x8];
	s0 =	simm.s32 $0x40;
	s4 =	simm.s32 $0x0  }
0x1e: {  	[tilespmem:s23], [sflag:$0x1] =	stream.linear.gather [hbm4b:s6+s3], $0x2710, $0x38;
	[tilespmem:$0x1D880] =	vst v63  }
.LBB2_2:
0x1f: {  	p0 =	sne.s32 s0, $0x4FC0;
	[tilespmem:s4+$0xC380] =	vst v0;
	s4 =	smov.u32 s0;
	s0 =	sadd.s32 $0x40, s0  }
.Ltmp0:
0x20: {  	(pc) =	sbr.rel @p0 .LBB2_2-.Ltmp0, $2  }
0x21: {  	_ =	sdelay $0x2  }
0x22: {  	s4 =	sshra.s32 s4, $0x2  }
0x23: {  	[tilespmem:s4+$0xC380] =	vst v0  }
0x24: {  	_ =	swait.ge [sflag:s24], $0xC380  }
0x25: {  	[sflag:s24] =	ssyncset.done $0x0  }
0x26: {  	[sflag:s24] =	ssyncadd.s32 $0xFFFF3C80  }
0x27: {  	[tilespmem:s25], [sflag:$0x2] =	stream.linear.gather [hbm4b:s7+s3], $0x2710, $0x38;
	[tilespmem:$0x1D880] =	vst v63  }
0x28: {  	_ = 	snop  }
0x29: {  	[tilespmem:s26], [sflag:$0x2] =	stream.linear.gather [hbm4b:s8+s3], $0x2710, $0x38;
	[tilespmem:$0x1D880] =	vst v63  }
0x2a: {  	_ = 	snop  }
0x2b: {  	[tilespmem:s28], [sflag:$0x2] =	stream.linear.gather [hbm4b:s9+s3], $0x2710, $0x38;
	[tilespmem:$0x1D880] =	vst v63  }
0x2c: {  	_ =	swait.ge [sflag:s29], $0x2710  }
0x2d: {  	[sflag:s29] =	ssyncset.done $0x0  }
0x2e: {  	[sflag:s29] =	ssyncadd.s32 $0xFFFFD8F0  }
0x2f: {  	_ =	swait.ge [sflag:s29], $0x2710  }
0x30: {  	[sflag:s29] =	ssyncset.done $0x0  }
0x31: {  	[sflag:s29] =	ssyncadd.s32 $0xFFFFD8F0  }
0x32: {  	_ =	swait.ge [sflag:s29], $0x2710  }
0x33: {  	[sflag:s29] =	ssyncset.done $0x0  }
0x34: {  	[sflag:s29] =	ssyncadd.s32 $0xFFFFD8F0  }
0x35: {  	v1 =	vld [tilespmem:$0xEB80];
	_ =	sdelay $0x2  }
0x36: {  	v2 =	vld [tilespmem:$0x13A80];
	_ =	sdelay $0x3  }
0x37: {  	v3 =	vld [tilespmem:$0x18980]  }
0x38: {  	vm0 =	vgt.s32 v2, $0xAFC8;
	v1 =	vld.idx.msk [tilespmem:v1+s3+$0x0], $0xffff  }
0x39: {  	vm1 =	vgt.s32 v2, $0xAFC7;
	v2 =	vnsel vm0, $0xAFC8, v2  }
0x3a: {  	v2 =	vadd.s32 $0xFFFF5038, v2;
	_ =	sdelay $0x2  }
0x3b: {  	v1 =	vmul.f32 v1, v3;
	_ =	sdelay $0x1  }
0x3c: {  	[tilespmem:v2+s30+$0x0] =	vst.idx.add.f32.msk vm1, v1  }
0x3d: {  	v1 =	vld [tilespmem:$0xEB90];
	_ =	sdelay $0x2  }
0x3e: {  	v2 =	vld [tilespmem:$0x13A90];
	_ =	sdelay $0x3  }
0x3f: {  	v3 =	vld [tilespmem:$0x18990]  }
0x40: {  	vm0 =	vgt.s32 v2, $0xAFC8;
	v1 =	vld.idx.msk [tilespmem:v1+s3+$0x0], $0xffff  }
0x41: {  	vm1 =	vgt.s32 v2, $0xAFC7;
	v2 =	vnsel vm0, $0xAFC8, v2  }
0x42: {  	v2 =	vadd.s32 $0xFFFF5038, v2;
	_ =	sdelay $0x2  }
0x43: {  	v1 =	vmul.f32 v1, v3;
	_ =	sdelay $0x1  }
0x44: {  	[tilespmem:v2+s30+$0x0] =	vst.idx.add.f32.msk vm1, v1  }
0x45: {  	v1 =	vld [tilespmem:$0xEBA0];
	_ =	sdelay $0x2  }
0x46: {  	v2 =	vld [tilespmem:$0x13AA0];
	_ =	sdelay $0x3  }
0x47: {  	v3 =	vld [tilespmem:$0x189A0]  }
0x48: {  	vm0 =	vgt.s32 v2, $0xAFC8;
	v1 =	vld.idx.msk [tilespmem:v1+s3+$0x0], $0xffff  }
0x49: {  	vm1 =	vgt.s32 v2, $0xAFC7;
	v2 =	vnsel vm0, $0xAFC8, v2  }
0x4a: {  	v2 =	vadd.s32 $0xFFFF5038, v2;
	_ =	sdelay $0x2  }
0x4b: {  	v1 =	vmul.f32 v1, v3;
	_ =	sdelay $0x1  }
0x4c: {  	[tilespmem:v2+s30+$0x0] =	vst.idx.add.f32.msk vm1, v1  }
0x4d: {  	v1 =	vld [tilespmem:$0xEBB0];
	_ =	sdelay $0x2  }
0x4e: {  	v2 =	vld [tilespmem:$0x13AB0];
	_ =	sdelay $0x3  }
0x4f: {  	v3 =	vld [tilespmem:$0x189B0]  }
0x50: {  	vm0 =	vgt.s32 v2, $0xAFC8;
	v1 =	vld.idx.msk [tilespmem:v1+s3+$0x0], $0xffff  }
0x51: {  	vm1 =	vgt.s32 v2, $0xAFC7;
	v2 =	vnsel vm0, $0xAFC8, v2  }
0x52: {  	v2 =	vadd.s32 $0xFFFF5038, v2;
	_ =	sdelay $0x2  }
0x53: {  	v1 =	vmul.f32 v1, v3;
	_ =	sdelay $0x1  }
0x54: {  	[tilespmem:v2+s30+$0x0] =	vst.idx.add.f32.msk vm1, v1  }
0x55: {  	v1 =	vld [tilespmem:$0xEBC0];
	_ =	sdelay $0x2  }
0x56: {  	v2 =	vld [tilespmem:$0x13AC0];
	_ =	sdelay $0x3  }
0x57: {  	v3 =	vld [tilespmem:$0x189C0]  }
0x58: {  	vm0 =	vgt.s32 v2, $0xAFC8;
	v1 =	vld.idx.msk [tilespmem:v1+s3+$0x0], $0xffff  }
0x59: {  	vm1 =	vgt.s32 v2, $0xAFC7;
	v2 =	vnsel vm0, $0xAFC8, v2  }
0x5a: {  	v2 =	vadd.s32 $0xFFFF5038, v2;
	_ =	sdelay $0x2  }
0x5b: {  	v1 =	vmul.f32 v1, v3;
	_ =	sdelay $0x1  }
0x5c: {  	[tilespmem:v2+s30+$0x0] =	vst.idx.add.f32.msk vm1, v1  }
0x5d: {  	v1 =	vld [tilespmem:$0xEBD0];
	_ =	sdelay $0x2  }
0x5e: {  	v2 =	vld [tilespmem:$0x13AD0];
	_ =	sdelay $0x3  }
0x5f: {  	v3 =	vld [tilespmem:$0x189D0]  }
0x60: {  	vm0 =	vgt.s32 v2, $0xAFC8;
	v1 =	vld.idx.msk [tilespmem:v1+s3+$0x0], $0xffff  }
0x61: {  	vm1 =	vgt.s32 v2, $0xAFC7;
	v2 =	vnsel vm0, $0xAFC8, v2  }
0x62: {  	v2 =	vadd.s32 $0xFFFF5038, v2;
	_ =	sdelay $0x2  }
0x63: {  	v1 =	vmul.f32 v1, v3;
	_ =	sdelay $0x1  }
0x64: {  	[tilespmem:v2+s30+$0x0] =	vst.idx.add.f32.msk vm1, v1  }
0x65: {  	v1 =	vld [tilespmem:$0xEBE0];
	_ =	sdelay $0x2  }
0x66: {  	v2 =	vld [tilespmem:$0x13AE0];
	_ =	sdelay $0x3  }
0x67: {  	v3 =	vld [tilespmem:$0x189E0]  }
0x68: {  	vm0 =	vgt.s32 v2, $0xAFC8;
	v1 =	vld.idx.msk [tilespmem:v1+s3+$0x0], $0xffff  }
0x69: {  	vm1 =	vgt.s32 v2, $0xAFC7;
	v2 =	vnsel vm0, $0xAFC8, v2  }
0x6a: {  	v2 =	vadd.s32 $0xFFFF5038, v2;
	_ =	sdelay $0x2  }
0x6b: {  	v1 =	vmul.f32 v1, v3;
	_ =	sdelay $0x1  }
0x6c: {  	[tilespmem:v2+s30+$0x0] =	vst.idx.add.f32.msk vm1, v1  }
0x6d: {  	v1 =	vld [tilespmem:$0xEBF0];
	_ =	sdelay $0x2  }
0x6e: {  	v2 =	vld [tilespmem:$0x13AF0];
	_ =	sdelay $0x3  }
0x6f: {  	v3 =	vld [tilespmem:$0x189F0]  }
0x70: {  	vm0 =	vgt.s32 v2, $0xAFC8;
	v1 =	vld.idx.msk [tilespmem:v1+s3+$0x0], $0xffff  }
0x71: {  	vm1 =	vgt.s32 v2, $0xAFC7;
	v2 =	vnsel vm0, $0xAFC8, v2  }
0x72: {  	v2 =	vadd.s32 $0xFFFF5038, v2;
	_ =	sdelay $0x2  }
0x73: {  	v1 =	vmul.f32 v1, v3;
	_ =	sdelay $0x1  }
0x74: {  	[tilespmem:v2+s30+$0x0] =	vst.idx.add.f32.msk vm1, v1  }
0x75: {  	v1 =	vld [tilespmem:$0xEC00];
	_ =	sdelay $0x2  }
0x76: {  	v2 =	vld [tilespmem:$0x13B00];
	_ =	sdelay $0x3  }
0x77: {  	v3 =	vld [tilespmem:$0x18A00]  }
0x78: {  	vm0 =	vgt.s32 v2, $0xAFC8;
	v1 =	vld.idx.msk [tilespmem:v1+s3+$0x0], $0xffff  }
0x79: {  	vm1 =	vgt.s32 v2, $0xAFC7;
	v2 =	vnsel vm0, $0xAFC8, v2  }
0x7a: {  	v2 =	vadd.s32 $0xFFFF5038, v2;
	_ =	sdelay $0x2  }
0x7b: {  	v1 =	vmul.f32 v1, v3;
	_ =	sdelay $0x1  }
0x7c: {  	[tilespmem:v2+s30+$0x0] =	vst.idx.add.f32.msk vm1, v1  }
0x7d: {  	v1 =	vld [tilespmem:$0xEC10];
	_ =	sdelay $0x2  }
0x7e: {  	v2 =	vld [tilespmem:$0x13B10];
	_ =	sdelay $0x3  }
0x7f: {  	v3 =	vld [tilespmem:$0x18A10]  }
0x80: {  	vm0 =	vgt.s32 v2, $0xAFC8;
	v1 =	vld.idx.msk [tilespmem:v1+s3+$0x0], $0xffff  }
0x81: {  	vm1 =	vgt.s32 v2, $0xAFC7;
	v2 =	vnsel vm0, $0xAFC8, v2  }
0x82: {  	v2 =	vadd.s32 $0xFFFF5038, v2;
	_ =	sdelay $0x2  }
0x83: {  	v1 =	vmul.f32 v1, v3;
	_ =	sdelay $0x1  }
0x84: {  	s6 =	simm.s32 $0xEC60;
	[tilespmem:v2+s30+$0x0] =	vst.idx.add.f32.msk vm1, v1  }
0x85: {  	v1 =	vld [tilespmem:s6+$0x0]  }
0x86: {  	v2 =	vld [tilespmem:s6+$0xFFFFFFC0]  }
0x87: {  	v3 =	vld [tilespmem:s6+$0xFFFFFFD0]  }
0x88: {  	s0 =	simm.s32 $0x13B60;
	v4 =	vld [tilespmem:s6+$0xFFFFFFE0]  }
0x89: {  	v5 =	vld [tilespmem:s0+$0x0]  }
0x8a: {  	v6 =	vld [tilespmem:s6+$0xFFFFFFF0]  }
0x8b: {  	v7 =	vld [tilespmem:s0+$0xFFFFFFD0]  }
0x8c: {  	s4 =	simm.s32 $0x18A60;
	v8 =	vld [tilespmem:s0+$0xFFFFFFE0]  }
0x8d: {  	v9 =	vld [tilespmem:s4+$0x0]  }
0x8e: {  	v10 =	vld [tilespmem:s0+$0xFFFFFFC0]  }
0x8f: {  	v11 =	vld [tilespmem:s0+$0xFFFFFFF0]  }
0x90: {  	v62 =	vld [tilespmem:s4+$0xFFFFFFD0]  }
0x91: {  	vm0 =	vgt.s32 v5, $0xAFC8;
	v1 =	vld.idx.msk [tilespmem:v1+s3+$0x0], $0xffff  }
0x92: {  	vm1 =	vgt.s32 v5, $0xAFC7;
	v12 =	vld.idx.msk [tilespmem:v2+s3+$0x0], $0xffff;
	v2 =	vnsel vm0, $0xAFC8, v5  }
0x93: {  	v14 =	vld [tilespmem:s4+$0xFFFFFFE0];
	v2 =	vadd.s32 $0xFFFF5038, v2  }
0x94: {  	v5 =	vld.idx.msk [tilespmem:v3+s3+$0x0], $0xffff  }
0x95: {  	vm2 =	vgt.s32 v10, $0xAFC8;
	v13 =	vld.idx.msk [tilespmem:v4+s3+$0x0], $0xffff  }
0x96: {  	vm3 =	vgt.s32 v7, $0xAFC8;
	vm4 =	vgt.s32 v10, $0xAFC7;
	v3 =	vld [tilespmem:s4+$0xFFFFFFC0];
	v1 =	vmul.f32 v1, v9  }
0x97: {  	vm0 =	vgt.s32 v7, $0xAFC7;
	v4 =	vnsel vm2, $0xAFC8, v10;
	vm2 =	vgt.s32 v8, $0xAFC8;
	v6 =	vld.idx.msk [tilespmem:v6+s3+$0x0], $0xffff  }
0x98: {  	v63 =	vadd.s32 $0xFFFF5038, v4;
	v4 =	vnsel vm3, $0xAFC8, v7;
	v7 =	vnsel vm2, $0xAFC8, v8;
	[tilespmem:v2+s30+$0x0] =	vst.idx.add.f32.msk vm1, v1  }
0x99: {  	v2 =	vadd.s32 $0xFFFF5038, v7;
	v7 =	vld [tilespmem:s4+$0xFFFFFFF0]  }
0x9a: {  	vm3 =	vgt.s32 v8, $0xAFC7;
	vm2 =	vgt.s32 v11, $0xAFC7;
	vm0 =	vmmov vm0  }
0x9b: {  	vm2 =	vmmov vm2;
	v8 =	vmul.f32 v12, v3;
	vm1 =	vgt.s32 v11, $0xAFC8  }
0x9c: {  	v1 =	vadd.s32 $0xFFFF5038, v4;
	v4 =	vnsel vm1, $0xAFC8, v11;
	vm1 =	vmmov vm3  }
0x9d: {  	s5 =	simm.s32 $0xA;
	s6 =	simm.s32 $0xECB0;
	[tilespmem:v63+s30+$0x0] =	vst.idx.add.f32.msk vm4, v8;
	v3 =	vadd.s32 $0xFFFF5038, v4;
	v4 =	vmul.f32 v5, v62;
	v5 =	vmul.f32 v13, v14  }
.LBB2_4:
0x9e: {  	v8 =	vld [tilespmem:s6+$0x0];
	s5 =	sadd.s32 $0x5, s5;
	v9 =	vmul.f32 v6, v7  }
0x9f: {  	v6 =	vld [tilespmem:s6+$0xFFFFFFC0];
	p0 =	slt.u32 s5, $0x26C  }
0xa0: {  	v7 =	vld [tilespmem:s6+$0xFFFFFFD0]  }
0xa1: {  	s0 =	sadd.s32 $0x50, s0;
	v10 =	vld [tilespmem:s6+$0xFFFFFFE0]  }
0xa2: {  	v11 =	vld [tilespmem:s0+$0x0]  }
0xa3: {  	v12 =	vld [tilespmem:s6+$0xFFFFFFF0]  }
0xa4: {  	v13 =	vld [tilespmem:s0+$0xFFFFFFD0]  }
0xa5: {  	v14 =	vld [tilespmem:s0+$0xFFFFFFE0]  }
0xa6: {  	s4 =	sadd.s32 $0x50, s4;
	v8 =	vld.idx.msk [tilespmem:v8+s3+$0x0], $0xffff  }
0xa7: {  	v15 =	vld [tilespmem:s4+$0x0];
	vm3 =	vgt.s32 v11, $0xAFC8  }
0xa8: {  	vm5 =	vgt.s32 v11, $0xAFC7;
	v16 =	vld [tilespmem:s0+$0xFFFFFFF0];
	v11 =	vnsel vm3, $0xAFC8, v11  }
0xa9: {  	v17 =	vld [tilespmem:s0+$0xFFFFFFC0];
	vm3 =	vgt.s32 v13, $0xAFC7;
	vm4 =	vgt.s32 v13, $0xAFC8;
	v11 =	vadd.s32 $0xFFFF5038, v11  }
0xaa: {  	v18 =	vld.idx.msk [tilespmem:v6+s3+$0x0], $0xffff;
	v6 =	vnsel vm4, $0xAFC8, v13;
	vm4 =	vgt.s32 v14, $0xAFC7;
	vm6 =	vgt.s32 v14, $0xAFC8  }
0xab: {  	v13 =	vld.idx.msk [tilespmem:v7+s3+$0x0], $0xffff;
	v19 =	vadd.s32 $0xFFFF5038, v6;
	v6 =	vnsel vm6, $0xAFC8, v14  }
0xac: {  	v10 =	vld.idx.msk [tilespmem:v10+s3+$0x0], $0xffff;
	v14 =	vadd.s32 $0xFFFF5038, v6;
	v7 =	vmul.f32 v8, v15  }
0xad: {  	vm6 =	vgt.s32 v16, $0xAFC7;
	v6 =	vld.idx.msk [tilespmem:v12+s3+$0x0], $0xffff;
	vm7 =	vgt.s32 v16, $0xAFC8  }
0xae: {  	vm8 =	vgt.s32 v17, $0xAFC7;
	vm9 =	vgt.s32 v17, $0xAFC8;
	v8 =	vnsel vm7, $0xAFC8, v16;
	[tilespmem:v11+s30+$0x0] =	vst.idx.add.f32.msk vm5, v7  }
0xaf: {  	v11 =	vld [tilespmem:s4+$0xFFFFFFC0];
	v7 =	vnsel vm9, $0xAFC8, v17;
	v8 =	vadd.s32 $0xFFFF5038, v8  }
0xb0: {  	v12 =	vadd.s32 $0xFFFF5038, v7;
	v15 =	vld [tilespmem:s4+$0xFFFFFFD0]  }
0xb1: {  	v16 =	vld [tilespmem:s4+$0xFFFFFFE0]  }
.Ltmp1:
0xb2: {  	v7 =	vld [tilespmem:s4+$0xFFFFFFF0];
	(pc) =	sbr.rel @p0 .LBB2_4-.Ltmp1, $4  }
0xb3: {  	[tilespmem:v1+s30+$0x0] =	vst.idx.add.f32.msk vm0, v4;
	v1 =	vmov v19;
	vm0 =	vmmov vm3  }
0xb4: {  	v11 =	vmul.f32 v18, v11;
	[tilespmem:v2+s30+$0x0] =	vst.idx.add.f32.msk vm1, v5;
	v2 =	vmov v14;
	vm1 =	vmmov vm4  }
0xb5: {  	v4 =	vmul.f32 v13, v15;
	[tilespmem:v3+s30+$0x0] =	vst.idx.add.f32.msk vm2, v9;
	v3 =	vmov v8;
	vm2 =	vmmov vm6  }
0xb6: {  	s6 =	sadd.s32 $0x50, s6;
	[tilespmem:v12+s30+$0x0] =	vst.idx.add.f32.msk vm8, v11;
	v5 =	vmul.f32 v10, v16  }
0xb7: {  	_ =	sdelay $0x4  }
0xb8: {  	v6 =	vmul.f32 v6, v7;
	[tilespmem:v1+s30+$0x0] =	vst.idx.add.f32.msk vm0, v4  }
0xb9: {  	[tilespmem:v2+s30+$0x0] =	vst.idx.add.f32.msk vm1, v5  }
0xba: {  	[tilespmem:v3+s30+$0x0] =	vst.idx.add.f32.msk vm2, v6  }
0xbb: {  	[tilespmem:s21], [sflag:$0x1] =	stream.linear.gather [hbm4b:s10+s3], $0x2710, $0x38;
	[tilespmem:$0x1D880] =	vst v63  }
0xbc: {  	_ = 	snop  }
0xbd: {  	[tilespmem:s22], [sflag:$0x1] =	stream.linear.gather [hbm4b:s11+s3], $0x2710, $0x38;
	[tilespmem:$0x1D880] =	vst v63  }
0xbe: {  	_ = 	snop  }
0xbf: {  	[tilespmem:s23], [sflag:$0x1] =	stream.linear.gather [hbm4b:s12+s3], $0x2710, $0x38;
	[tilespmem:$0x1D880] =	vst v63  }
0xc0: {  	_ =	swait.ge [sflag:s31], $0x2710  }
0xc1: {  	[sflag:s31] =	ssyncset.done $0x0  }
0xc2: {  	[sflag:s31] =	ssyncadd.s32 $0xFFFFD8F0  }
0xc3: {  	_ =	swait.ge [sflag:s31], $0x2710  }
0xc4: {  	[sflag:s31] =	ssyncset.done $0x0  }
0xc5: {  	[sflag:s31] =	ssyncadd.s32 $0xFFFFD8F0  }
0xc6: {  	_ =	swait.ge [sflag:s31], $0x2710  }
0xc7: {  	[sflag:s31] =	ssyncset.done $0x0  }
0xc8: {  	[sflag:s31] =	ssyncadd.s32 $0xFFFFD8F0  }
0xc9: {  	v1 =	vld [tilespmem:$0x11300];
	_ =	sdelay $0x2  }
0xca: {  	v2 =	vld [tilespmem:$0x16200];
	_ =	sdelay $0x3  }
0xcb: {  	v3 =	vld [tilespmem:$0x1B100]  }
0xcc: {  	vm0 =	vgt.s32 v2, $0xAFC8;
	v1 =	vld.idx.msk [tilespmem:v1+s3+$0x0], $0xffff  }
0xcd: {  	vm1 =	vgt.s32 v2, $0xAFC7;
	v2 =	vnsel vm0, $0xAFC8, v2  }
0xce: {  	v2 =	vadd.s32 $0xFFFF5038, v2;
	_ =	sdelay $0x2  }
0xcf: {  	v1 =	vmul.f32 v1, v3;
	_ =	sdelay $0x1  }
0xd0: {  	[tilespmem:v2+s30+$0x0] =	vst.idx.add.f32.msk vm1, v1  }
0xd1: {  	v1 =	vld [tilespmem:$0x11310];
	_ =	sdelay $0x2  }
0xd2: {  	v2 =	vld [tilespmem:$0x16210];
	_ =	sdelay $0x3  }
0xd3: {  	v3 =	vld [tilespmem:$0x1B110]  }
0xd4: {  	vm0 =	vgt.s32 v2, $0xAFC8;
	v1 =	vld.idx.msk [tilespmem:v1+s3+$0x0], $0xffff  }
0xd5: {  	vm1 =	vgt.s32 v2, $0xAFC7;
	v2 =	vnsel vm0, $0xAFC8, v2  }
0xd6: {  	v2 =	vadd.s32 $0xFFFF5038, v2;
	_ =	sdelay $0x2  }
0xd7: {  	v1 =	vmul.f32 v1, v3;
	_ =	sdelay $0x1  }
0xd8: {  	[tilespmem:v2+s30+$0x0] =	vst.idx.add.f32.msk vm1, v1  }
0xd9: {  	v1 =	vld [tilespmem:$0x11320];
	_ =	sdelay $0x2  }
0xda: {  	v2 =	vld [tilespmem:$0x16220];
	_ =	sdelay $0x3  }
0xdb: {  	v3 =	vld [tilespmem:$0x1B120]  }
0xdc: {  	vm0 =	vgt.s32 v2, $0xAFC8;
	v1 =	vld.idx.msk [tilespmem:v1+s3+$0x0], $0xffff  }
0xdd: {  	vm1 =	vgt.s32 v2, $0xAFC7;
	v2 =	vnsel vm0, $0xAFC8, v2  }
0xde: {  	v2 =	vadd.s32 $0xFFFF5038, v2;
	_ =	sdelay $0x2  }
0xdf: {  	v1 =	vmul.f32 v1, v3;
	_ =	sdelay $0x1  }
0xe0: {  	[tilespmem:v2+s30+$0x0] =	vst.idx.add.f32.msk vm1, v1  }
0xe1: {  	v1 =	vld [tilespmem:$0x11330];
	_ =	sdelay $0x2  }
0xe2: {  	v2 =	vld [tilespmem:$0x16230];
	_ =	sdelay $0x3  }
0xe3: {  	v3 =	vld [tilespmem:$0x1B130]  }
0xe4: {  	vm0 =	vgt.s32 v2, $0xAFC8;
	v1 =	vld.idx.msk [tilespmem:v1+s3+$0x0], $0xffff  }
0xe5: {  	vm1 =	vgt.s32 v2, $0xAFC7;
	v2 =	vnsel vm0, $0xAFC8, v2  }
0xe6: {  	v2 =	vadd.s32 $0xFFFF5038, v2;
	_ =	sdelay $0x2  }
0xe7: {  	v1 =	vmul.f32 v1, v3;
	_ =	sdelay $0x1  }
0xe8: {  	[tilespmem:v2+s30+$0x0] =	vst.idx.add.f32.msk vm1, v1  }
0xe9: {  	v1 =	vld [tilespmem:$0x11340];
	_ =	sdelay $0x2  }
0xea: {  	v2 =	vld [tilespmem:$0x16240];
	_ =	sdelay $0x3  }
0xeb: {  	v3 =	vld [tilespmem:$0x1B140]  }
0xec: {  	vm0 =	vgt.s32 v2, $0xAFC8;
	v1 =	vld.idx.msk [tilespmem:v1+s3+$0x0], $0xffff  }
0xed: {  	vm1 =	vgt.s32 v2, $0xAFC7;
	v2 =	vnsel vm0, $0xAFC8, v2  }
0xee: {  	v2 =	vadd.s32 $0xFFFF5038, v2;
	_ =	sdelay $0x2  }
0xef: {  	v1 =	vmul.f32 v1, v3;
	_ =	sdelay $0x1  }
0xf0: {  	[tilespmem:v2+s30+$0x0] =	vst.idx.add.f32.msk vm1, v1  }
0xf1: {  	v1 =	vld [tilespmem:$0x11350];
	_ =	sdelay $0x2  }
0xf2: {  	v2 =	vld [tilespmem:$0x16250];
	_ =	sdelay $0x3  }
0xf3: {  	v3 =	vld [tilespmem:$0x1B150]  }
0xf4: {  	vm0 =	vgt.s32 v2, $0xAFC8;
	v1 =	vld.idx.msk [tilespmem:v1+s3+$0x0], $0xffff  }
0xf5: {  	vm1 =	vgt.s32 v2, $0xAFC7;
	v2 =	vnsel vm0, $0xAFC8, v2  }
0xf6: {  	v2 =	vadd.s32 $0xFFFF5038, v2;
	_ =	sdelay $0x2  }
0xf7: {  	v1 =	vmul.f32 v1, v3;
	_ =	sdelay $0x1  }
0xf8: {  	[tilespmem:v2+s30+$0x0] =	vst.idx.add.f32.msk vm1, v1  }
0xf9: {  	v1 =	vld [tilespmem:$0x11360];
	_ =	sdelay $0x2  }
0xfa: {  	v2 =	vld [tilespmem:$0x16260];
	_ =	sdelay $0x3  }
0xfb: {  	v3 =	vld [tilespmem:$0x1B160]  }
0xfc: {  	vm0 =	vgt.s32 v2, $0xAFC8;
	v1 =	vld.idx.msk [tilespmem:v1+s3+$0x0], $0xffff  }
0xfd: {  	vm1 =	vgt.s32 v2, $0xAFC7;
	v2 =	vnsel vm0, $0xAFC8, v2  }
0xfe: {  	v2 =	vadd.s32 $0xFFFF5038, v2;
	_ =	sdelay $0x2  }
0xff: {  	v1 =	vmul.f32 v1, v3;
	_ =	sdelay $0x1  }
0x100: {  	[tilespmem:v2+s30+$0x0] =	vst.idx.add.f32.msk vm1, v1  }
0x101: {  	v1 =	vld [tilespmem:$0x11370];
	_ =	sdelay $0x2  }
0x102: {  	v2 =	vld [tilespmem:$0x16270];
	_ =	sdelay $0x3  }
0x103: {  	v3 =	vld [tilespmem:$0x1B170]  }
0x104: {  	vm0 =	vgt.s32 v2, $0xAFC8;
	v1 =	vld.idx.msk [tilespmem:v1+s3+$0x0], $0xffff  }
0x105: {  	vm1 =	vgt.s32 v2, $0xAFC7;
	v2 =	vnsel vm0, $0xAFC8, v2  }
0x106: {  	v2 =	vadd.s32 $0xFFFF5038, v2;
	_ =	sdelay $0x2  }
0x107: {  	v1 =	vmul.f32 v1, v3;
	_ =	sdelay $0x1  }
0x108: {  	[tilespmem:v2+s30+$0x0] =	vst.idx.add.f32.msk vm1, v1  }
0x109: {  	v1 =	vld [tilespmem:$0x11380];
	_ =	sdelay $0x2  }
0x10a: {  	v2 =	vld [tilespmem:$0x16280];
	_ =	sdelay $0x3  }
0x10b: {  	v3 =	vld [tilespmem:$0x1B180]  }
0x10c: {  	vm0 =	vgt.s32 v2, $0xAFC8;
	v1 =	vld.idx.msk [tilespmem:v1+s3+$0x0], $0xffff  }
0x10d: {  	vm1 =	vgt.s32 v2, $0xAFC7;
	v2 =	vnsel vm0, $0xAFC8, v2  }
0x10e: {  	v2 =	vadd.s32 $0xFFFF5038, v2;
	_ =	sdelay $0x2  }
0x10f: {  	v1 =	vmul.f32 v1, v3;
	_ =	sdelay $0x1  }
0x110: {  	[tilespmem:v2+s30+$0x0] =	vst.idx.add.f32.msk vm1, v1  }
0x111: {  	v1 =	vld [tilespmem:$0x11390];
	_ =	sdelay $0x2  }
0x112: {  	v2 =	vld [tilespmem:$0x16290];
	_ =	sdelay $0x3  }
0x113: {  	v3 =	vld [tilespmem:$0x1B190]  }
0x114: {  	vm0 =	vgt.s32 v2, $0xAFC8;
	v1 =	vld.idx.msk [tilespmem:v1+s3+$0x0], $0xffff  }
0x115: {  	vm1 =	vgt.s32 v2, $0xAFC7;
	v2 =	vnsel vm0, $0xAFC8, v2  }
0x116: {  	v2 =	vadd.s32 $0xFFFF5038, v2;
	_ =	sdelay $0x2  }
0x117: {  	v1 =	vmul.f32 v1, v3;
	_ =	sdelay $0x1  }
0x118: {  	s4 =	simm.s32 $0x113E0;
	[tilespmem:v2+s30+$0x0] =	vst.idx.add.f32.msk vm1, v1  }
0x119: {  	v1 =	vld [tilespmem:s4+$0x0]  }
0x11a: {  	v2 =	vld [tilespmem:s4+$0xFFFFFFC0]  }
0x11b: {  	v3 =	vld [tilespmem:s4+$0xFFFFFFD0]  }
0x11c: {  	s0 =	simm.s32 $0x162E0;
	v4 =	vld [tilespmem:s4+$0xFFFFFFE0]  }
0x11d: {  	v5 =	vld [tilespmem:s0+$0x0]  }
0x11e: {  	v6 =	vld [tilespmem:s4+$0xFFFFFFF0]  }
0x11f: {  	v7 =	vld [tilespmem:s0+$0xFFFFFFD0]  }
0x120: {  	v8 =	vld [tilespmem:s0+$0xFFFFFFE0]  }
0x121: {  	v10 =	vld [tilespmem:s0+$0xFFFFFFC0]  }
0x122: {  	s4 =	simm.s32 $0x1B1E0;
	v11 =	vld [tilespmem:s0+$0xFFFFFFF0]  }
0x123: {  	v9 =	vld [tilespmem:s4+$0x0]  }
0x124: {  	v62 =	vld [tilespmem:s4+$0xFFFFFFD0]  }
0x125: {  	vm0 =	vgt.s32 v5, $0xAFC8;
	v1 =	vld.idx.msk [tilespmem:v1+s3+$0x0], $0xffff  }
0x126: {  	vm1 =	vgt.s32 v5, $0xAFC7;
	v12 =	vld.idx.msk [tilespmem:v2+s3+$0x0], $0xffff;
	v2 =	vnsel vm0, $0xAFC8, v5  }
0x127: {  	v14 =	vld [tilespmem:s4+$0xFFFFFFE0];
	v2 =	vadd.s32 $0xFFFF5038, v2  }
0x128: {  	v5 =	vld.idx.msk [tilespmem:v3+s3+$0x0], $0xffff  }
0x129: {  	vm2 =	vgt.s32 v10, $0xAFC8;
	v13 =	vld.idx.msk [tilespmem:v4+s3+$0x0], $0xffff  }
0x12a: {  	vm3 =	vgt.s32 v7, $0xAFC8;
	vm4 =	vgt.s32 v10, $0xAFC7;
	v3 =	vld [tilespmem:s4+$0xFFFFFFC0];
	v1 =	vmul.f32 v1, v9  }
0x12b: {  	vm0 =	vgt.s32 v7, $0xAFC7;
	v4 =	vnsel vm2, $0xAFC8, v10;
	vm2 =	vgt.s32 v8, $0xAFC8;
	v6 =	vld.idx.msk [tilespmem:v6+s3+$0x0], $0xffff  }
0x12c: {  	v63 =	vadd.s32 $0xFFFF5038, v4;
	v4 =	vnsel vm3, $0xAFC8, v7;
	v7 =	vnsel vm2, $0xAFC8, v8;
	[tilespmem:v2+s30+$0x0] =	vst.idx.add.f32.msk vm1, v1  }
0x12d: {  	v2 =	vadd.s32 $0xFFFF5038, v7;
	v7 =	vld [tilespmem:s4+$0xFFFFFFF0]  }
0x12e: {  	vm3 =	vgt.s32 v8, $0xAFC7;
	vm2 =	vgt.s32 v11, $0xAFC7;
	vm0 =	vmmov vm0  }
0x12f: {  	vm2 =	vmmov vm2;
	v8 =	vmul.f32 v12, v3;
	vm1 =	vgt.s32 v11, $0xAFC8  }
0x130: {  	v1 =	vadd.s32 $0xFFFF5038, v4;
	v4 =	vnsel vm1, $0xAFC8, v11;
	vm1 =	vmmov vm3  }
0x131: {  	s5 =	simm.s32 $0xA;
	s6 =	simm.s32 $0x11430;
	[tilespmem:v63+s30+$0x0] =	vst.idx.add.f32.msk vm4, v8;
	v3 =	vadd.s32 $0xFFFF5038, v4;
	v4 =	vmul.f32 v5, v62;
	v5 =	vmul.f32 v13, v14  }
.LBB2_6:
0x132: {  	v8 =	vld [tilespmem:s6+$0x0];
	s5 =	sadd.s32 $0x5, s5;
	v9 =	vmul.f32 v6, v7  }
0x133: {  	v6 =	vld [tilespmem:s6+$0xFFFFFFC0];
	p0 =	slt.u32 s5, $0x26C  }
0x134: {  	v7 =	vld [tilespmem:s6+$0xFFFFFFD0]  }
0x135: {  	s0 =	sadd.s32 $0x50, s0;
	v10 =	vld [tilespmem:s6+$0xFFFFFFE0]  }
0x136: {  	v11 =	vld [tilespmem:s0+$0x0]  }
0x137: {  	v12 =	vld [tilespmem:s6+$0xFFFFFFF0]  }
0x138: {  	v13 =	vld [tilespmem:s0+$0xFFFFFFD0]  }
0x139: {  	v14 =	vld [tilespmem:s0+$0xFFFFFFE0]  }
0x13a: {  	s4 =	sadd.s32 $0x50, s4;
	v8 =	vld.idx.msk [tilespmem:v8+s3+$0x0], $0xffff  }
0x13b: {  	v15 =	vld [tilespmem:s4+$0x0];
	vm3 =	vgt.s32 v11, $0xAFC8  }
0x13c: {  	vm5 =	vgt.s32 v11, $0xAFC7;
	v16 =	vld [tilespmem:s0+$0xFFFFFFF0];
	v11 =	vnsel vm3, $0xAFC8, v11  }
0x13d: {  	v17 =	vld [tilespmem:s0+$0xFFFFFFC0];
	vm3 =	vgt.s32 v13, $0xAFC7;
	vm4 =	vgt.s32 v13, $0xAFC8;
	v11 =	vadd.s32 $0xFFFF5038, v11  }
0x13e: {  	v18 =	vld.idx.msk [tilespmem:v6+s3+$0x0], $0xffff;
	v6 =	vnsel vm4, $0xAFC8, v13;
	vm4 =	vgt.s32 v14, $0xAFC7;
	vm6 =	vgt.s32 v14, $0xAFC8  }
0x13f: {  	v13 =	vld.idx.msk [tilespmem:v7+s3+$0x0], $0xffff;
	v19 =	vadd.s32 $0xFFFF5038, v6;
	v6 =	vnsel vm6, $0xAFC8, v14  }
0x140: {  	v10 =	vld.idx.msk [tilespmem:v10+s3+$0x0], $0xffff;
	v14 =	vadd.s32 $0xFFFF5038, v6;
	v7 =	vmul.f32 v8, v15  }
0x141: {  	vm6 =	vgt.s32 v16, $0xAFC7;
	v6 =	vld.idx.msk [tilespmem:v12+s3+$0x0], $0xffff;
	vm7 =	vgt.s32 v16, $0xAFC8  }
0x142: {  	vm8 =	vgt.s32 v17, $0xAFC7;
	vm9 =	vgt.s32 v17, $0xAFC8;
	v8 =	vnsel vm7, $0xAFC8, v16;
	[tilespmem:v11+s30+$0x0] =	vst.idx.add.f32.msk vm5, v7  }
0x143: {  	v11 =	vld [tilespmem:s4+$0xFFFFFFC0];
	v7 =	vnsel vm9, $0xAFC8, v17;
	v8 =	vadd.s32 $0xFFFF5038, v8  }
0x144: {  	v12 =	vadd.s32 $0xFFFF5038, v7;
	v15 =	vld [tilespmem:s4+$0xFFFFFFD0]  }
0x145: {  	v16 =	vld [tilespmem:s4+$0xFFFFFFE0]  }
.Ltmp2:
0x146: {  	v7 =	vld [tilespmem:s4+$0xFFFFFFF0];
	(pc) =	sbr.rel @p0 .LBB2_6-.Ltmp2, $4  }
0x147: {  	[tilespmem:v1+s30+$0x0] =	vst.idx.add.f32.msk vm0, v4;
	v1 =	vmov v19;
	vm0 =	vmmov vm3  }
0x148: {  	v11 =	vmul.f32 v18, v11;
	[tilespmem:v2+s30+$0x0] =	vst.idx.add.f32.msk vm1, v5;
	v2 =	vmov v14;
	vm1 =	vmmov vm4  }
0x149: {  	v4 =	vmul.f32 v13, v15;
	[tilespmem:v3+s30+$0x0] =	vst.idx.add.f32.msk vm2, v9;
	v3 =	vmov v8;
	vm2 =	vmmov vm6  }
0x14a: {  	s6 =	sadd.s32 $0x50, s6;
	[tilespmem:v12+s30+$0x0] =	vst.idx.add.f32.msk vm8, v11;
	v5 =	vmul.f32 v10, v16  }
0x14b: {  	_ =	sdelay $0x4  }
0x14c: {  	v6 =	vmul.f32 v6, v7;
	[tilespmem:v1+s30+$0x0] =	vst.idx.add.f32.msk vm0, v4  }
0x14d: {  	[tilespmem:v2+s30+$0x0] =	vst.idx.add.f32.msk vm1, v5  }
0x14e: {  	[tilespmem:v3+s30+$0x0] =	vst.idx.add.f32.msk vm2, v6  }
0x14f: {  	[tilespmem:s25], [sflag:$0x2] =	stream.linear.gather [hbm4b:s13+s3], $0x2710, $0x38;
	[tilespmem:$0x1D880] =	vst v63  }
0x150: {  	_ = 	snop  }
0x151: {  	[tilespmem:s26], [sflag:$0x2] =	stream.linear.gather [hbm4b:s14+s3], $0x2710, $0x38;
	[tilespmem:$0x1D880] =	vst v63  }
0x152: {  	_ = 	snop  }
0x153: {  	[tilespmem:s28], [sflag:$0x2] =	stream.linear.gather [hbm4b:s15+s3], $0x2710, $0x38;
	[tilespmem:$0x1D880] =	vst v63  }
0x154: {  	_ =	swait.ge [sflag:s29], $0x2710  }
0x155: {  	[sflag:s29] =	ssyncset.done $0x0  }
0x156: {  	[sflag:s29] =	ssyncadd.s32 $0xFFFFD8F0  }
0x157: {  	_ =	swait.ge [sflag:s29], $0x2710  }
0x158: {  	[sflag:s29] =	ssyncset.done $0x0  }
0x159: {  	[sflag:s29] =	ssyncadd.s32 $0xFFFFD8F0  }
0x15a: {  	_ =	swait.ge [sflag:s29], $0x2710  }
0x15b: {  	[sflag:s29] =	ssyncset.done $0x0  }
0x15c: {  	[sflag:s29] =	ssyncadd.s32 $0xFFFFD8F0  }
0x15d: {  	v1 =	vld [tilespmem:$0xEB80];
	_ =	sdelay $0x2  }
0x15e: {  	v2 =	vld [tilespmem:$0x13A80];
	_ =	sdelay $0x3  }
0x15f: {  	v3 =	vld [tilespmem:$0x18980]  }
0x160: {  	vm0 =	vgt.s32 v2, $0xAFC8;
	v1 =	vld.idx.msk [tilespmem:v1+s3+$0x0], $0xffff  }
0x161: {  	vm1 =	vgt.s32 v2, $0xAFC7;
	v2 =	vnsel vm0, $0xAFC8, v2  }
0x162: {  	v2 =	vadd.s32 $0xFFFF5038, v2;
	_ =	sdelay $0x2  }
0x163: {  	v1 =	vmul.f32 v1, v3;
	_ =	sdelay $0x1  }
0x164: {  	[tilespmem:v2+s30+$0x0] =	vst.idx.add.f32.msk vm1, v1  }
0x165: {  	v1 =	vld [tilespmem:$0xEB90];
	_ =	sdelay $0x2  }
0x166: {  	v2 =	vld [tilespmem:$0x13A90];
	_ =	sdelay $0x3  }
0x167: {  	v3 =	vld [tilespmem:$0x18990]  }
0x168: {  	vm0 =	vgt.s32 v2, $0xAFC8;
	v1 =	vld.idx.msk [tilespmem:v1+s3+$0x0], $0xffff  }
0x169: {  	vm1 =	vgt.s32 v2, $0xAFC7;
	v2 =	vnsel vm0, $0xAFC8, v2  }
0x16a: {  	v2 =	vadd.s32 $0xFFFF5038, v2;
	_ =	sdelay $0x2  }
0x16b: {  	v1 =	vmul.f32 v1, v3;
	_ =	sdelay $0x1  }
0x16c: {  	[tilespmem:v2+s30+$0x0] =	vst.idx.add.f32.msk vm1, v1  }
0x16d: {  	v1 =	vld [tilespmem:$0xEBA0];
	_ =	sdelay $0x2  }
0x16e: {  	v2 =	vld [tilespmem:$0x13AA0];
	_ =	sdelay $0x3  }
0x16f: {  	v3 =	vld [tilespmem:$0x189A0]  }
0x170: {  	vm0 =	vgt.s32 v2, $0xAFC8;
	v1 =	vld.idx.msk [tilespmem:v1+s3+$0x0], $0xffff  }
0x171: {  	vm1 =	vgt.s32 v2, $0xAFC7;
	v2 =	vnsel vm0, $0xAFC8, v2  }
0x172: {  	v2 =	vadd.s32 $0xFFFF5038, v2;
	_ =	sdelay $0x2  }
0x173: {  	v1 =	vmul.f32 v1, v3;
	_ =	sdelay $0x1  }
0x174: {  	[tilespmem:v2+s30+$0x0] =	vst.idx.add.f32.msk vm1, v1  }
0x175: {  	v1 =	vld [tilespmem:$0xEBB0];
	_ =	sdelay $0x2  }
0x176: {  	v2 =	vld [tilespmem:$0x13AB0];
	_ =	sdelay $0x3  }
0x177: {  	v3 =	vld [tilespmem:$0x189B0]  }
0x178: {  	vm0 =	vgt.s32 v2, $0xAFC8;
	v1 =	vld.idx.msk [tilespmem:v1+s3+$0x0], $0xffff  }
0x179: {  	vm1 =	vgt.s32 v2, $0xAFC7;
	v2 =	vnsel vm0, $0xAFC8, v2  }
0x17a: {  	v2 =	vadd.s32 $0xFFFF5038, v2;
	_ =	sdelay $0x2  }
0x17b: {  	v1 =	vmul.f32 v1, v3;
	_ =	sdelay $0x1  }
0x17c: {  	[tilespmem:v2+s30+$0x0] =	vst.idx.add.f32.msk vm1, v1  }
0x17d: {  	v1 =	vld [tilespmem:$0xEBC0];
	_ =	sdelay $0x2  }
0x17e: {  	v2 =	vld [tilespmem:$0x13AC0];
	_ =	sdelay $0x3  }
0x17f: {  	v3 =	vld [tilespmem:$0x189C0]  }
0x180: {  	vm0 =	vgt.s32 v2, $0xAFC8;
	v1 =	vld.idx.msk [tilespmem:v1+s3+$0x0], $0xffff  }
0x181: {  	vm1 =	vgt.s32 v2, $0xAFC7;
	v2 =	vnsel vm0, $0xAFC8, v2  }
0x182: {  	v2 =	vadd.s32 $0xFFFF5038, v2;
	_ =	sdelay $0x2  }
0x183: {  	v1 =	vmul.f32 v1, v3;
	_ =	sdelay $0x1  }
0x184: {  	[tilespmem:v2+s30+$0x0] =	vst.idx.add.f32.msk vm1, v1  }
0x185: {  	v1 =	vld [tilespmem:$0xEBD0];
	_ =	sdelay $0x2  }
0x186: {  	v2 =	vld [tilespmem:$0x13AD0];
	_ =	sdelay $0x3  }
0x187: {  	v3 =	vld [tilespmem:$0x189D0]  }
0x188: {  	vm0 =	vgt.s32 v2, $0xAFC8;
	v1 =	vld.idx.msk [tilespmem:v1+s3+$0x0], $0xffff  }
0x189: {  	vm1 =	vgt.s32 v2, $0xAFC7;
	v2 =	vnsel vm0, $0xAFC8, v2  }
0x18a: {  	v2 =	vadd.s32 $0xFFFF5038, v2;
	_ =	sdelay $0x2  }
0x18b: {  	v1 =	vmul.f32 v1, v3;
	_ =	sdelay $0x1  }
0x18c: {  	[tilespmem:v2+s30+$0x0] =	vst.idx.add.f32.msk vm1, v1  }
0x18d: {  	v1 =	vld [tilespmem:$0xEBE0];
	_ =	sdelay $0x2  }
0x18e: {  	v2 =	vld [tilespmem:$0x13AE0];
	_ =	sdelay $0x3  }
0x18f: {  	v3 =	vld [tilespmem:$0x189E0]  }
0x190: {  	vm0 =	vgt.s32 v2, $0xAFC8;
	v1 =	vld.idx.msk [tilespmem:v1+s3+$0x0], $0xffff  }
0x191: {  	vm1 =	vgt.s32 v2, $0xAFC7;
	v2 =	vnsel vm0, $0xAFC8, v2  }
0x192: {  	v2 =	vadd.s32 $0xFFFF5038, v2;
	_ =	sdelay $0x2  }
0x193: {  	v1 =	vmul.f32 v1, v3;
	_ =	sdelay $0x1  }
0x194: {  	[tilespmem:v2+s30+$0x0] =	vst.idx.add.f32.msk vm1, v1  }
0x195: {  	v1 =	vld [tilespmem:$0xEBF0];
	_ =	sdelay $0x2  }
0x196: {  	v2 =	vld [tilespmem:$0x13AF0];
	_ =	sdelay $0x3  }
0x197: {  	v3 =	vld [tilespmem:$0x189F0]  }
0x198: {  	vm0 =	vgt.s32 v2, $0xAFC8;
	v1 =	vld.idx.msk [tilespmem:v1+s3+$0x0], $0xffff  }
0x199: {  	vm1 =	vgt.s32 v2, $0xAFC7;
	v2 =	vnsel vm0, $0xAFC8, v2  }
0x19a: {  	v2 =	vadd.s32 $0xFFFF5038, v2;
	_ =	sdelay $0x2  }
0x19b: {  	v1 =	vmul.f32 v1, v3;
	_ =	sdelay $0x1  }
0x19c: {  	[tilespmem:v2+s30+$0x0] =	vst.idx.add.f32.msk vm1, v1  }
0x19d: {  	v1 =	vld [tilespmem:$0xEC00];
	_ =	sdelay $0x2  }
0x19e: {  	v2 =	vld [tilespmem:$0x13B00];
	_ =	sdelay $0x3  }
0x19f: {  	v3 =	vld [tilespmem:$0x18A00]  }
0x1a0: {  	vm0 =	vgt.s32 v2, $0xAFC8;
	v1 =	vld.idx.msk [tilespmem:v1+s3+$0x0], $0xffff  }
0x1a1: {  	vm1 =	vgt.s32 v2, $0xAFC7;
	v2 =	vnsel vm0, $0xAFC8, v2  }
0x1a2: {  	v2 =	vadd.s32 $0xFFFF5038, v2;
	_ =	sdelay $0x2  }
0x1a3: {  	v1 =	vmul.f32 v1, v3;
	_ =	sdelay $0x1  }
0x1a4: {  	[tilespmem:v2+s30+$0x0] =	vst.idx.add.f32.msk vm1, v1  }
0x1a5: {  	v1 =	vld [tilespmem:$0xEC10];
	_ =	sdelay $0x2  }
0x1a6: {  	v2 =	vld [tilespmem:$0x13B10];
	_ =	sdelay $0x3  }
0x1a7: {  	v3 =	vld [tilespmem:$0x18A10]  }
0x1a8: {  	vm0 =	vgt.s32 v2, $0xAFC8;
	v1 =	vld.idx.msk [tilespmem:v1+s3+$0x0], $0xffff  }
0x1a9: {  	vm1 =	vgt.s32 v2, $0xAFC7;
	v2 =	vnsel vm0, $0xAFC8, v2  }
0x1aa: {  	v2 =	vadd.s32 $0xFFFF5038, v2;
	_ =	sdelay $0x2  }
0x1ab: {  	v1 =	vmul.f32 v1, v3;
	_ =	sdelay $0x1  }
0x1ac: {  	s4 =	simm.s32 $0xEC60;
	[tilespmem:v2+s30+$0x0] =	vst.idx.add.f32.msk vm1, v1  }
0x1ad: {  	v1 =	vld [tilespmem:s4+$0x0]  }
0x1ae: {  	v2 =	vld [tilespmem:s4+$0xFFFFFFC0]  }
0x1af: {  	v3 =	vld [tilespmem:s4+$0xFFFFFFD0]  }
0x1b0: {  	s0 =	simm.s32 $0x13B60;
	v4 =	vld [tilespmem:s4+$0xFFFFFFE0]  }
0x1b1: {  	v5 =	vld [tilespmem:s0+$0x0]  }
0x1b2: {  	v6 =	vld [tilespmem:s4+$0xFFFFFFF0]  }
0x1b3: {  	v7 =	vld [tilespmem:s0+$0xFFFFFFD0]  }
0x1b4: {  	v8 =	vld [tilespmem:s0+$0xFFFFFFE0]  }
0x1b5: {  	v10 =	vld [tilespmem:s0+$0xFFFFFFC0]  }
0x1b6: {  	s4 =	simm.s32 $0x18A60;
	v11 =	vld [tilespmem:s0+$0xFFFFFFF0]  }
0x1b7: {  	v9 =	vld [tilespmem:s4+$0x0]  }
0x1b8: {  	v62 =	vld [tilespmem:s4+$0xFFFFFFD0]  }
0x1b9: {  	vm0 =	vgt.s32 v5, $0xAFC8;
	v1 =	vld.idx.msk [tilespmem:v1+s3+$0x0], $0xffff  }
0x1ba: {  	vm1 =	vgt.s32 v5, $0xAFC7;
	v12 =	vld.idx.msk [tilespmem:v2+s3+$0x0], $0xffff;
	v2 =	vnsel vm0, $0xAFC8, v5  }
0x1bb: {  	v14 =	vld [tilespmem:s4+$0xFFFFFFE0];
	v2 =	vadd.s32 $0xFFFF5038, v2  }
0x1bc: {  	v5 =	vld.idx.msk [tilespmem:v3+s3+$0x0], $0xffff  }
0x1bd: {  	vm2 =	vgt.s32 v10, $0xAFC8;
	v13 =	vld.idx.msk [tilespmem:v4+s3+$0x0], $0xffff  }
0x1be: {  	vm3 =	vgt.s32 v7, $0xAFC8;
	vm4 =	vgt.s32 v10, $0xAFC7;
	v3 =	vld [tilespmem:s4+$0xFFFFFFC0];
	v1 =	vmul.f32 v1, v9  }
0x1bf: {  	vm0 =	vgt.s32 v7, $0xAFC7;
	v4 =	vnsel vm2, $0xAFC8, v10;
	vm2 =	vgt.s32 v8, $0xAFC8;
	v6 =	vld.idx.msk [tilespmem:v6+s3+$0x0], $0xffff  }
0x1c0: {  	v63 =	vadd.s32 $0xFFFF5038, v4;
	v4 =	vnsel vm3, $0xAFC8, v7;
	v7 =	vnsel vm2, $0xAFC8, v8;
	[tilespmem:v2+s30+$0x0] =	vst.idx.add.f32.msk vm1, v1  }
0x1c1: {  	v2 =	vadd.s32 $0xFFFF5038, v7;
	v7 =	vld [tilespmem:s4+$0xFFFFFFF0]  }
0x1c2: {  	vm3 =	vgt.s32 v8, $0xAFC7;
	vm2 =	vgt.s32 v11, $0xAFC7;
	vm0 =	vmmov vm0  }
0x1c3: {  	vm2 =	vmmov vm2;
	v8 =	vmul.f32 v12, v3;
	vm1 =	vgt.s32 v11, $0xAFC8  }
0x1c4: {  	v1 =	vadd.s32 $0xFFFF5038, v4;
	v4 =	vnsel vm1, $0xAFC8, v11;
	vm1 =	vmmov vm3  }
0x1c5: {  	s5 =	simm.s32 $0xA;
	s6 =	simm.s32 $0xECB0;
	[tilespmem:v63+s30+$0x0] =	vst.idx.add.f32.msk vm4, v8;
	v3 =	vadd.s32 $0xFFFF5038, v4;
	v4 =	vmul.f32 v5, v62;
	v5 =	vmul.f32 v13, v14  }
.LBB2_8:
0x1c6: {  	v8 =	vld [tilespmem:s6+$0x0];
	s5 =	sadd.s32 $0x5, s5;
	v9 =	vmul.f32 v6, v7  }
0x1c7: {  	v6 =	vld [tilespmem:s6+$0xFFFFFFC0];
	p0 =	slt.u32 s5, $0x26C  }
0x1c8: {  	v7 =	vld [tilespmem:s6+$0xFFFFFFD0]  }
0x1c9: {  	s0 =	sadd.s32 $0x50, s0;
	v10 =	vld [tilespmem:s6+$0xFFFFFFE0]  }
0x1ca: {  	v11 =	vld [tilespmem:s0+$0x0]  }
0x1cb: {  	v12 =	vld [tilespmem:s6+$0xFFFFFFF0]  }
0x1cc: {  	v13 =	vld [tilespmem:s0+$0xFFFFFFD0]  }
0x1cd: {  	v14 =	vld [tilespmem:s0+$0xFFFFFFE0]  }
0x1ce: {  	s4 =	sadd.s32 $0x50, s4;
	v8 =	vld.idx.msk [tilespmem:v8+s3+$0x0], $0xffff  }
0x1cf: {  	v15 =	vld [tilespmem:s4+$0x0];
	vm3 =	vgt.s32 v11, $0xAFC8  }
0x1d0: {  	vm5 =	vgt.s32 v11, $0xAFC7;
	v16 =	vld [tilespmem:s0+$0xFFFFFFF0];
	v11 =	vnsel vm3, $0xAFC8, v11  }
0x1d1: {  	v17 =	vld [tilespmem:s0+$0xFFFFFFC0];
	vm3 =	vgt.s32 v13, $0xAFC7;
	vm4 =	vgt.s32 v13, $0xAFC8;
	v11 =	vadd.s32 $0xFFFF5038, v11  }
0x1d2: {  	v18 =	vld.idx.msk [tilespmem:v6+s3+$0x0], $0xffff;
	v6 =	vnsel vm4, $0xAFC8, v13;
	vm4 =	vgt.s32 v14, $0xAFC7;
	vm6 =	vgt.s32 v14, $0xAFC8  }
0x1d3: {  	v13 =	vld.idx.msk [tilespmem:v7+s3+$0x0], $0xffff;
	v19 =	vadd.s32 $0xFFFF5038, v6;
	v6 =	vnsel vm6, $0xAFC8, v14  }
0x1d4: {  	v10 =	vld.idx.msk [tilespmem:v10+s3+$0x0], $0xffff;
	v14 =	vadd.s32 $0xFFFF5038, v6;
	v7 =	vmul.f32 v8, v15  }
0x1d5: {  	vm6 =	vgt.s32 v16, $0xAFC7;
	v6 =	vld.idx.msk [tilespmem:v12+s3+$0x0], $0xffff;
	vm7 =	vgt.s32 v16, $0xAFC8  }
0x1d6: {  	vm8 =	vgt.s32 v17, $0xAFC7;
	vm9 =	vgt.s32 v17, $0xAFC8;
	v8 =	vnsel vm7, $0xAFC8, v16;
	[tilespmem:v11+s30+$0x0] =	vst.idx.add.f32.msk vm5, v7  }
0x1d7: {  	v11 =	vld [tilespmem:s4+$0xFFFFFFC0];
	v7 =	vnsel vm9, $0xAFC8, v17;
	v8 =	vadd.s32 $0xFFFF5038, v8  }
0x1d8: {  	v12 =	vadd.s32 $0xFFFF5038, v7;
	v15 =	vld [tilespmem:s4+$0xFFFFFFD0]  }
0x1d9: {  	v16 =	vld [tilespmem:s4+$0xFFFFFFE0]  }
.Ltmp3:
0x1da: {  	v7 =	vld [tilespmem:s4+$0xFFFFFFF0];
	(pc) =	sbr.rel @p0 .LBB2_8-.Ltmp3, $4  }
0x1db: {  	[tilespmem:v1+s30+$0x0] =	vst.idx.add.f32.msk vm0, v4;
	v1 =	vmov v19;
	vm0 =	vmmov vm3  }
0x1dc: {  	v11 =	vmul.f32 v18, v11;
	[tilespmem:v2+s30+$0x0] =	vst.idx.add.f32.msk vm1, v5;
	v2 =	vmov v14;
	vm1 =	vmmov vm4  }
0x1dd: {  	v4 =	vmul.f32 v13, v15;
	[tilespmem:v3+s30+$0x0] =	vst.idx.add.f32.msk vm2, v9;
	v3 =	vmov v8;
	vm2 =	vmmov vm6  }
0x1de: {  	s6 =	sadd.s32 $0x50, s6;
	[tilespmem:v12+s30+$0x0] =	vst.idx.add.f32.msk vm8, v11;
	v5 =	vmul.f32 v10, v16  }
0x1df: {  	_ =	sdelay $0x4  }
0x1e0: {  	v6 =	vmul.f32 v6, v7;
	[tilespmem:v1+s30+$0x0] =	vst.idx.add.f32.msk vm0, v4  }
0x1e1: {  	[tilespmem:v2+s30+$0x0] =	vst.idx.add.f32.msk vm1, v5  }
0x1e2: {  	[tilespmem:v3+s30+$0x0] =	vst.idx.add.f32.msk vm2, v6  }
0x1e3: {  	[tilespmem:s21], [sflag:$0x1] =	stream.linear.gather [hbm4b:s16+s3], $0x2710, $0x38;
	[tilespmem:$0x1D880] =	vst v63  }
0x1e4: {  	_ = 	snop  }
0x1e5: {  	[tilespmem:s22], [sflag:$0x1] =	stream.linear.gather [hbm4b:s17+s3], $0x2710, $0x38;
	[tilespmem:$0x1D880] =	vst v63  }
0x1e6: {  	_ = 	snop  }
0x1e7: {  	[tilespmem:s23], [sflag:$0x1] =	stream.linear.gather [hbm4b:s18+s3], $0x2710, $0x38;
	[tilespmem:$0x1D880] =	vst v63  }
0x1e8: {  	_ =	swait.ge [sflag:s31], $0x2710  }
0x1e9: {  	[sflag:s31] =	ssyncset.done $0x0  }
0x1ea: {  	[sflag:s31] =	ssyncadd.s32 $0xFFFFD8F0  }
0x1eb: {  	_ =	swait.ge [sflag:s31], $0x2710  }
0x1ec: {  	[sflag:s31] =	ssyncset.done $0x0  }
0x1ed: {  	[sflag:s31] =	ssyncadd.s32 $0xFFFFD8F0  }
0x1ee: {  	_ =	swait.ge [sflag:s31], $0x2710  }
0x1ef: {  	[sflag:s31] =	ssyncset.done $0x0  }
0x1f0: {  	[sflag:s31] =	ssyncadd.s32 $0xFFFFD8F0  }
0x1f1: {  	v1 =	vld [tilespmem:$0x11300];
	_ =	sdelay $0x2  }
0x1f2: {  	v2 =	vld [tilespmem:$0x16200];
	_ =	sdelay $0x3  }
0x1f3: {  	v3 =	vld [tilespmem:$0x1B100]  }
0x1f4: {  	vm0 =	vgt.s32 v2, $0xAFC8;
	v1 =	vld.idx.msk [tilespmem:v1+s3+$0x0], $0xffff  }
0x1f5: {  	vm1 =	vgt.s32 v2, $0xAFC7;
	v2 =	vnsel vm0, $0xAFC8, v2  }
0x1f6: {  	v2 =	vadd.s32 $0xFFFF5038, v2;
	_ =	sdelay $0x2  }
0x1f7: {  	v1 =	vmul.f32 v1, v3;
	_ =	sdelay $0x1  }
0x1f8: {  	[tilespmem:v2+s30+$0x0] =	vst.idx.add.f32.msk vm1, v1  }
0x1f9: {  	v1 =	vld [tilespmem:$0x11310];
	_ =	sdelay $0x2  }
0x1fa: {  	v2 =	vld [tilespmem:$0x16210];
	_ =	sdelay $0x3  }
0x1fb: {  	v3 =	vld [tilespmem:$0x1B110]  }
0x1fc: {  	vm0 =	vgt.s32 v2, $0xAFC8;
	v1 =	vld.idx.msk [tilespmem:v1+s3+$0x0], $0xffff  }
0x1fd: {  	vm1 =	vgt.s32 v2, $0xAFC7;
	v2 =	vnsel vm0, $0xAFC8, v2  }
0x1fe: {  	v2 =	vadd.s32 $0xFFFF5038, v2;
	_ =	sdelay $0x2  }
0x1ff: {  	v1 =	vmul.f32 v1, v3;
	_ =	sdelay $0x1  }
0x200: {  	[tilespmem:v2+s30+$0x0] =	vst.idx.add.f32.msk vm1, v1  }
0x201: {  	v1 =	vld [tilespmem:$0x11320];
	_ =	sdelay $0x2  }
0x202: {  	v2 =	vld [tilespmem:$0x16220];
	_ =	sdelay $0x3  }
0x203: {  	v3 =	vld [tilespmem:$0x1B120]  }
0x204: {  	vm0 =	vgt.s32 v2, $0xAFC8;
	v1 =	vld.idx.msk [tilespmem:v1+s3+$0x0], $0xffff  }
0x205: {  	vm1 =	vgt.s32 v2, $0xAFC7;
	v2 =	vnsel vm0, $0xAFC8, v2  }
0x206: {  	v2 =	vadd.s32 $0xFFFF5038, v2;
	_ =	sdelay $0x2  }
0x207: {  	v1 =	vmul.f32 v1, v3;
	_ =	sdelay $0x1  }
0x208: {  	[tilespmem:v2+s30+$0x0] =	vst.idx.add.f32.msk vm1, v1  }
0x209: {  	v1 =	vld [tilespmem:$0x11330];
	_ =	sdelay $0x2  }
0x20a: {  	v2 =	vld [tilespmem:$0x16230];
	_ =	sdelay $0x3  }
0x20b: {  	v3 =	vld [tilespmem:$0x1B130]  }
0x20c: {  	vm0 =	vgt.s32 v2, $0xAFC8;
	v1 =	vld.idx.msk [tilespmem:v1+s3+$0x0], $0xffff  }
0x20d: {  	vm1 =	vgt.s32 v2, $0xAFC7;
	v2 =	vnsel vm0, $0xAFC8, v2  }
0x20e: {  	v2 =	vadd.s32 $0xFFFF5038, v2;
	_ =	sdelay $0x2  }
0x20f: {  	v1 =	vmul.f32 v1, v3;
	_ =	sdelay $0x1  }
0x210: {  	[tilespmem:v2+s30+$0x0] =	vst.idx.add.f32.msk vm1, v1  }
0x211: {  	v1 =	vld [tilespmem:$0x11340];
	_ =	sdelay $0x2  }
0x212: {  	v2 =	vld [tilespmem:$0x16240];
	_ =	sdelay $0x3  }
0x213: {  	v3 =	vld [tilespmem:$0x1B140]  }
0x214: {  	vm0 =	vgt.s32 v2, $0xAFC8;
	v1 =	vld.idx.msk [tilespmem:v1+s3+$0x0], $0xffff  }
0x215: {  	vm1 =	vgt.s32 v2, $0xAFC7;
	v2 =	vnsel vm0, $0xAFC8, v2  }
0x216: {  	v2 =	vadd.s32 $0xFFFF5038, v2;
	_ =	sdelay $0x2  }
0x217: {  	v1 =	vmul.f32 v1, v3;
	_ =	sdelay $0x1  }
0x218: {  	[tilespmem:v2+s30+$0x0] =	vst.idx.add.f32.msk vm1, v1  }
0x219: {  	v1 =	vld [tilespmem:$0x11350];
	_ =	sdelay $0x2  }
0x21a: {  	v2 =	vld [tilespmem:$0x16250];
	_ =	sdelay $0x3  }
0x21b: {  	v3 =	vld [tilespmem:$0x1B150]  }
0x21c: {  	vm0 =	vgt.s32 v2, $0xAFC8;
	v1 =	vld.idx.msk [tilespmem:v1+s3+$0x0], $0xffff  }
0x21d: {  	vm1 =	vgt.s32 v2, $0xAFC7;
	v2 =	vnsel vm0, $0xAFC8, v2  }
0x21e: {  	v2 =	vadd.s32 $0xFFFF5038, v2;
	_ =	sdelay $0x2  }
0x21f: {  	v1 =	vmul.f32 v1, v3;
	_ =	sdelay $0x1  }
0x220: {  	[tilespmem:v2+s30+$0x0] =	vst.idx.add.f32.msk vm1, v1  }
0x221: {  	v1 =	vld [tilespmem:$0x11360];
	_ =	sdelay $0x2  }
0x222: {  	v2 =	vld [tilespmem:$0x16260];
	_ =	sdelay $0x3  }
0x223: {  	v3 =	vld [tilespmem:$0x1B160]  }
0x224: {  	vm0 =	vgt.s32 v2, $0xAFC8;
	v1 =	vld.idx.msk [tilespmem:v1+s3+$0x0], $0xffff  }
0x225: {  	vm1 =	vgt.s32 v2, $0xAFC7;
	v2 =	vnsel vm0, $0xAFC8, v2  }
0x226: {  	v2 =	vadd.s32 $0xFFFF5038, v2;
	_ =	sdelay $0x2  }
0x227: {  	v1 =	vmul.f32 v1, v3;
	_ =	sdelay $0x1  }
0x228: {  	[tilespmem:v2+s30+$0x0] =	vst.idx.add.f32.msk vm1, v1  }
0x229: {  	v1 =	vld [tilespmem:$0x11370];
	_ =	sdelay $0x2  }
0x22a: {  	v2 =	vld [tilespmem:$0x16270];
	_ =	sdelay $0x3  }
0x22b: {  	v3 =	vld [tilespmem:$0x1B170]  }
0x22c: {  	vm0 =	vgt.s32 v2, $0xAFC8;
	v1 =	vld.idx.msk [tilespmem:v1+s3+$0x0], $0xffff  }
0x22d: {  	vm1 =	vgt.s32 v2, $0xAFC7;
	v2 =	vnsel vm0, $0xAFC8, v2  }
0x22e: {  	v2 =	vadd.s32 $0xFFFF5038, v2;
	_ =	sdelay $0x2  }
0x22f: {  	v1 =	vmul.f32 v1, v3;
	_ =	sdelay $0x1  }
0x230: {  	[tilespmem:v2+s30+$0x0] =	vst.idx.add.f32.msk vm1, v1  }
0x231: {  	v1 =	vld [tilespmem:$0x11380];
	_ =	sdelay $0x2  }
0x232: {  	v2 =	vld [tilespmem:$0x16280];
	_ =	sdelay $0x3  }
0x233: {  	v3 =	vld [tilespmem:$0x1B180]  }
0x234: {  	vm0 =	vgt.s32 v2, $0xAFC8;
	v1 =	vld.idx.msk [tilespmem:v1+s3+$0x0], $0xffff  }
0x235: {  	vm1 =	vgt.s32 v2, $0xAFC7;
	v2 =	vnsel vm0, $0xAFC8, v2  }
0x236: {  	v2 =	vadd.s32 $0xFFFF5038, v2;
	_ =	sdelay $0x2  }
0x237: {  	v1 =	vmul.f32 v1, v3;
	_ =	sdelay $0x1  }
0x238: {  	[tilespmem:v2+s30+$0x0] =	vst.idx.add.f32.msk vm1, v1  }
0x239: {  	v1 =	vld [tilespmem:$0x11390];
	_ =	sdelay $0x2  }
0x23a: {  	v2 =	vld [tilespmem:$0x16290];
	_ =	sdelay $0x3  }
0x23b: {  	v3 =	vld [tilespmem:$0x1B190]  }
0x23c: {  	vm0 =	vgt.s32 v2, $0xAFC8;
	v1 =	vld.idx.msk [tilespmem:v1+s3+$0x0], $0xffff  }
0x23d: {  	vm1 =	vgt.s32 v2, $0xAFC7;
	v2 =	vnsel vm0, $0xAFC8, v2  }
0x23e: {  	v2 =	vadd.s32 $0xFFFF5038, v2;
	_ =	sdelay $0x2  }
0x23f: {  	v1 =	vmul.f32 v1, v3;
	_ =	sdelay $0x1  }
0x240: {  	s4 =	simm.s32 $0x113E0;
	[tilespmem:v2+s30+$0x0] =	vst.idx.add.f32.msk vm1, v1  }
0x241: {  	v1 =	vld [tilespmem:s4+$0x0]  }
0x242: {  	v2 =	vld [tilespmem:s4+$0xFFFFFFC0]  }
0x243: {  	v3 =	vld [tilespmem:s4+$0xFFFFFFD0]  }
0x244: {  	s0 =	simm.s32 $0x162E0;
	v4 =	vld [tilespmem:s4+$0xFFFFFFE0]  }
0x245: {  	v5 =	vld [tilespmem:s0+$0x0]  }
0x246: {  	v6 =	vld [tilespmem:s4+$0xFFFFFFF0]  }
0x247: {  	v7 =	vld [tilespmem:s0+$0xFFFFFFD0]  }
0x248: {  	v8 =	vld [tilespmem:s0+$0xFFFFFFE0]  }
0x249: {  	v10 =	vld [tilespmem:s0+$0xFFFFFFC0]  }
0x24a: {  	s4 =	simm.s32 $0x1B1E0;
	v11 =	vld [tilespmem:s0+$0xFFFFFFF0]  }
0x24b: {  	v9 =	vld [tilespmem:s4+$0x0]  }
0x24c: {  	v62 =	vld [tilespmem:s4+$0xFFFFFFD0]  }
0x24d: {  	vm0 =	vgt.s32 v5, $0xAFC8;
	v1 =	vld.idx.msk [tilespmem:v1+s3+$0x0], $0xffff  }
0x24e: {  	vm1 =	vgt.s32 v5, $0xAFC7;
	v12 =	vld.idx.msk [tilespmem:v2+s3+$0x0], $0xffff;
	v2 =	vnsel vm0, $0xAFC8, v5  }
0x24f: {  	v14 =	vld [tilespmem:s4+$0xFFFFFFE0];
	v2 =	vadd.s32 $0xFFFF5038, v2  }
0x250: {  	v5 =	vld.idx.msk [tilespmem:v3+s3+$0x0], $0xffff  }
0x251: {  	vm2 =	vgt.s32 v10, $0xAFC8;
	v13 =	vld.idx.msk [tilespmem:v4+s3+$0x0], $0xffff  }
0x252: {  	vm3 =	vgt.s32 v7, $0xAFC8;
	vm4 =	vgt.s32 v10, $0xAFC7;
	v3 =	vld [tilespmem:s4+$0xFFFFFFC0];
	v1 =	vmul.f32 v1, v9  }
0x253: {  	vm0 =	vgt.s32 v7, $0xAFC7;
	v4 =	vnsel vm2, $0xAFC8, v10;
	vm2 =	vgt.s32 v8, $0xAFC8;
	v6 =	vld.idx.msk [tilespmem:v6+s3+$0x0], $0xffff  }
0x254: {  	v63 =	vadd.s32 $0xFFFF5038, v4;
	v4 =	vnsel vm3, $0xAFC8, v7;
	v7 =	vnsel vm2, $0xAFC8, v8;
	[tilespmem:v2+s30+$0x0] =	vst.idx.add.f32.msk vm1, v1  }
0x255: {  	v2 =	vadd.s32 $0xFFFF5038, v7;
	v7 =	vld [tilespmem:s4+$0xFFFFFFF0]  }
0x256: {  	vm3 =	vgt.s32 v8, $0xAFC7;
	vm2 =	vgt.s32 v11, $0xAFC7;
	vm0 =	vmmov vm0  }
0x257: {  	vm2 =	vmmov vm2;
	v8 =	vmul.f32 v12, v3;
	vm1 =	vgt.s32 v11, $0xAFC8  }
0x258: {  	v1 =	vadd.s32 $0xFFFF5038, v4;
	v4 =	vnsel vm1, $0xAFC8, v11;
	vm1 =	vmmov vm3  }
0x259: {  	s5 =	simm.s32 $0xA;
	s6 =	simm.s32 $0x11430;
	[tilespmem:v63+s30+$0x0] =	vst.idx.add.f32.msk vm4, v8;
	v3 =	vadd.s32 $0xFFFF5038, v4;
	v4 =	vmul.f32 v5, v62;
	v5 =	vmul.f32 v13, v14  }
.LBB2_10:
0x25a: {  	v8 =	vld [tilespmem:s6+$0x0];
	s5 =	sadd.s32 $0x5, s5;
	v9 =	vmul.f32 v6, v7  }
0x25b: {  	v6 =	vld [tilespmem:s6+$0xFFFFFFC0];
	p0 =	slt.u32 s5, $0x26C  }
0x25c: {  	v7 =	vld [tilespmem:s6+$0xFFFFFFD0]  }
0x25d: {  	s0 =	sadd.s32 $0x50, s0;
	v10 =	vld [tilespmem:s6+$0xFFFFFFE0]  }
0x25e: {  	v11 =	vld [tilespmem:s0+$0x0]  }
0x25f: {  	v12 =	vld [tilespmem:s6+$0xFFFFFFF0]  }
0x260: {  	v13 =	vld [tilespmem:s0+$0xFFFFFFD0]  }
0x261: {  	v14 =	vld [tilespmem:s0+$0xFFFFFFE0]  }
0x262: {  	s4 =	sadd.s32 $0x50, s4;
	v8 =	vld.idx.msk [tilespmem:v8+s3+$0x0], $0xffff  }
0x263: {  	v15 =	vld [tilespmem:s4+$0x0];
	vm3 =	vgt.s32 v11, $0xAFC8  }
0x264: {  	vm5 =	vgt.s32 v11, $0xAFC7;
	v16 =	vld [tilespmem:s0+$0xFFFFFFF0];
	v11 =	vnsel vm3, $0xAFC8, v11  }
0x265: {  	v17 =	vld [tilespmem:s0+$0xFFFFFFC0];
	vm3 =	vgt.s32 v13, $0xAFC7;
	vm4 =	vgt.s32 v13, $0xAFC8;
	v11 =	vadd.s32 $0xFFFF5038, v11  }
0x266: {  	v18 =	vld.idx.msk [tilespmem:v6+s3+$0x0], $0xffff;
	v6 =	vnsel vm4, $0xAFC8, v13;
	vm4 =	vgt.s32 v14, $0xAFC7;
	vm6 =	vgt.s32 v14, $0xAFC8  }
0x267: {  	v13 =	vld.idx.msk [tilespmem:v7+s3+$0x0], $0xffff;
	v19 =	vadd.s32 $0xFFFF5038, v6;
	v6 =	vnsel vm6, $0xAFC8, v14  }
0x268: {  	v10 =	vld.idx.msk [tilespmem:v10+s3+$0x0], $0xffff;
	v14 =	vadd.s32 $0xFFFF5038, v6;
	v7 =	vmul.f32 v8, v15  }
0x269: {  	vm6 =	vgt.s32 v16, $0xAFC7;
	v6 =	vld.idx.msk [tilespmem:v12+s3+$0x0], $0xffff;
	vm7 =	vgt.s32 v16, $0xAFC8  }
0x26a: {  	vm8 =	vgt.s32 v17, $0xAFC7;
	vm9 =	vgt.s32 v17, $0xAFC8;
	v8 =	vnsel vm7, $0xAFC8, v16;
	[tilespmem:v11+s30+$0x0] =	vst.idx.add.f32.msk vm5, v7  }
0x26b: {  	v11 =	vld [tilespmem:s4+$0xFFFFFFC0];
	v7 =	vnsel vm9, $0xAFC8, v17;
	v8 =	vadd.s32 $0xFFFF5038, v8  }
0x26c: {  	v12 =	vadd.s32 $0xFFFF5038, v7;
	v15 =	vld [tilespmem:s4+$0xFFFFFFD0]  }
0x26d: {  	v16 =	vld [tilespmem:s4+$0xFFFFFFE0]  }
.Ltmp4:
0x26e: {  	v7 =	vld [tilespmem:s4+$0xFFFFFFF0];
	(pc) =	sbr.rel @p0 .LBB2_10-.Ltmp4, $4  }
0x26f: {  	[tilespmem:v1+s30+$0x0] =	vst.idx.add.f32.msk vm0, v4;
	v1 =	vmov v19;
	vm0 =	vmmov vm3  }
0x270: {  	v11 =	vmul.f32 v18, v11;
	[tilespmem:v2+s30+$0x0] =	vst.idx.add.f32.msk vm1, v5;
	v2 =	vmov v14;
	vm1 =	vmmov vm4  }
0x271: {  	v4 =	vmul.f32 v13, v15;
	[tilespmem:v3+s30+$0x0] =	vst.idx.add.f32.msk vm2, v9;
	v3 =	vmov v8;
	vm2 =	vmmov vm6  }
0x272: {  	s6 =	sadd.s32 $0x50, s6;
	[tilespmem:v12+s30+$0x0] =	vst.idx.add.f32.msk vm8, v11;
	v5 =	vmul.f32 v10, v16  }
0x273: {  	_ =	sdelay $0x4  }
0x274: {  	v6 =	vmul.f32 v6, v7;
	[tilespmem:v1+s30+$0x0] =	vst.idx.add.f32.msk vm0, v4  }
0x275: {  	[tilespmem:v2+s30+$0x0] =	vst.idx.add.f32.msk vm1, v5  }
0x276: {  	[tilespmem:v3+s30+$0x0] =	vst.idx.add.f32.msk vm2, v6  }
0x277: {  	_ =	swait.ge [sflag:s29], $0x2710  }
0x278: {  	[sflag:s29] =	ssyncset.done $0x0  }
0x279: {  	[sflag:s29] =	ssyncadd.s32 $0xFFFFD8F0  }
0x27a: {  	_ =	swait.ge [sflag:s29], $0x2710  }
0x27b: {  	[sflag:s29] =	ssyncset.done $0x0  }
0x27c: {  	[sflag:s29] =	ssyncadd.s32 $0xFFFFD8F0  }
0x27d: {  	_ =	swait.ge [sflag:s29], $0x2710  }
0x27e: {  	[sflag:s29] =	ssyncset.done $0x0  }
0x27f: {  	[sflag:s29] =	ssyncadd.s32 $0xFFFFD8F0  }
0x280: {  	v1 =	vld [tilespmem:$0xEB80];
	_ =	sdelay $0x2  }
0x281: {  	v2 =	vld [tilespmem:$0x13A80];
	_ =	sdelay $0x3  }
0x282: {  	v3 =	vld [tilespmem:$0x18980]  }
0x283: {  	vm0 =	vgt.s32 v2, $0xAFC8;
	v1 =	vld.idx.msk [tilespmem:v1+s3+$0x0], $0xffff  }
0x284: {  	vm1 =	vgt.s32 v2, $0xAFC7;
	v2 =	vnsel vm0, $0xAFC8, v2  }
0x285: {  	v2 =	vadd.s32 $0xFFFF5038, v2;
	_ =	sdelay $0x2  }
0x286: {  	v1 =	vmul.f32 v1, v3;
	_ =	sdelay $0x1  }
0x287: {  	[tilespmem:v2+s30+$0x0] =	vst.idx.add.f32.msk vm1, v1  }
0x288: {  	v1 =	vld [tilespmem:$0xEB90];
	_ =	sdelay $0x2  }
0x289: {  	v2 =	vld [tilespmem:$0x13A90];
	_ =	sdelay $0x3  }
0x28a: {  	v3 =	vld [tilespmem:$0x18990]  }
0x28b: {  	vm0 =	vgt.s32 v2, $0xAFC8;
	v1 =	vld.idx.msk [tilespmem:v1+s3+$0x0], $0xffff  }
0x28c: {  	vm1 =	vgt.s32 v2, $0xAFC7;
	v2 =	vnsel vm0, $0xAFC8, v2  }
0x28d: {  	v2 =	vadd.s32 $0xFFFF5038, v2;
	_ =	sdelay $0x2  }
0x28e: {  	v1 =	vmul.f32 v1, v3;
	_ =	sdelay $0x1  }
0x28f: {  	[tilespmem:v2+s30+$0x0] =	vst.idx.add.f32.msk vm1, v1  }
0x290: {  	v1 =	vld [tilespmem:$0xEBA0];
	_ =	sdelay $0x2  }
0x291: {  	v2 =	vld [tilespmem:$0x13AA0];
	_ =	sdelay $0x3  }
0x292: {  	v3 =	vld [tilespmem:$0x189A0]  }
0x293: {  	vm0 =	vgt.s32 v2, $0xAFC8;
	v1 =	vld.idx.msk [tilespmem:v1+s3+$0x0], $0xffff  }
0x294: {  	vm1 =	vgt.s32 v2, $0xAFC7;
	v2 =	vnsel vm0, $0xAFC8, v2  }
0x295: {  	v2 =	vadd.s32 $0xFFFF5038, v2;
	_ =	sdelay $0x2  }
0x296: {  	v1 =	vmul.f32 v1, v3;
	_ =	sdelay $0x1  }
0x297: {  	[tilespmem:v2+s30+$0x0] =	vst.idx.add.f32.msk vm1, v1  }
0x298: {  	v1 =	vld [tilespmem:$0xEBB0];
	_ =	sdelay $0x2  }
0x299: {  	v2 =	vld [tilespmem:$0x13AB0];
	_ =	sdelay $0x3  }
0x29a: {  	v3 =	vld [tilespmem:$0x189B0]  }
0x29b: {  	vm0 =	vgt.s32 v2, $0xAFC8;
	v1 =	vld.idx.msk [tilespmem:v1+s3+$0x0], $0xffff  }
0x29c: {  	vm1 =	vgt.s32 v2, $0xAFC7;
	v2 =	vnsel vm0, $0xAFC8, v2  }
0x29d: {  	v2 =	vadd.s32 $0xFFFF5038, v2;
	_ =	sdelay $0x2  }
0x29e: {  	v1 =	vmul.f32 v1, v3;
	_ =	sdelay $0x1  }
0x29f: {  	[tilespmem:v2+s30+$0x0] =	vst.idx.add.f32.msk vm1, v1  }
0x2a0: {  	v1 =	vld [tilespmem:$0xEBC0];
	_ =	sdelay $0x2  }
0x2a1: {  	v2 =	vld [tilespmem:$0x13AC0];
	_ =	sdelay $0x3  }
0x2a2: {  	v3 =	vld [tilespmem:$0x189C0]  }
0x2a3: {  	vm0 =	vgt.s32 v2, $0xAFC8;
	v1 =	vld.idx.msk [tilespmem:v1+s3+$0x0], $0xffff  }
0x2a4: {  	vm1 =	vgt.s32 v2, $0xAFC7;
	v2 =	vnsel vm0, $0xAFC8, v2  }
0x2a5: {  	v2 =	vadd.s32 $0xFFFF5038, v2;
	_ =	sdelay $0x2  }
0x2a6: {  	v1 =	vmul.f32 v1, v3;
	_ =	sdelay $0x1  }
0x2a7: {  	[tilespmem:v2+s30+$0x0] =	vst.idx.add.f32.msk vm1, v1  }
0x2a8: {  	v1 =	vld [tilespmem:$0xEBD0];
	_ =	sdelay $0x2  }
0x2a9: {  	v2 =	vld [tilespmem:$0x13AD0];
	_ =	sdelay $0x3  }
0x2aa: {  	v3 =	vld [tilespmem:$0x189D0]  }
0x2ab: {  	vm0 =	vgt.s32 v2, $0xAFC8;
	v1 =	vld.idx.msk [tilespmem:v1+s3+$0x0], $0xffff  }
0x2ac: {  	vm1 =	vgt.s32 v2, $0xAFC7;
	v2 =	vnsel vm0, $0xAFC8, v2  }
0x2ad: {  	v2 =	vadd.s32 $0xFFFF5038, v2;
	_ =	sdelay $0x2  }
0x2ae: {  	v1 =	vmul.f32 v1, v3;
	_ =	sdelay $0x1  }
0x2af: {  	[tilespmem:v2+s30+$0x0] =	vst.idx.add.f32.msk vm1, v1  }
0x2b0: {  	v1 =	vld [tilespmem:$0xEBE0];
	_ =	sdelay $0x2  }
0x2b1: {  	v2 =	vld [tilespmem:$0x13AE0];
	_ =	sdelay $0x3  }
0x2b2: {  	v3 =	vld [tilespmem:$0x189E0]  }
0x2b3: {  	vm0 =	vgt.s32 v2, $0xAFC8;
	v1 =	vld.idx.msk [tilespmem:v1+s3+$0x0], $0xffff  }
0x2b4: {  	vm1 =	vgt.s32 v2, $0xAFC7;
	v2 =	vnsel vm0, $0xAFC8, v2  }
0x2b5: {  	v2 =	vadd.s32 $0xFFFF5038, v2;
	_ =	sdelay $0x2  }
0x2b6: {  	v1 =	vmul.f32 v1, v3;
	_ =	sdelay $0x1  }
0x2b7: {  	[tilespmem:v2+s30+$0x0] =	vst.idx.add.f32.msk vm1, v1  }
0x2b8: {  	v1 =	vld [tilespmem:$0xEBF0];
	_ =	sdelay $0x2  }
0x2b9: {  	v2 =	vld [tilespmem:$0x13AF0];
	_ =	sdelay $0x3  }
0x2ba: {  	v3 =	vld [tilespmem:$0x189F0]  }
0x2bb: {  	vm0 =	vgt.s32 v2, $0xAFC8;
	v1 =	vld.idx.msk [tilespmem:v1+s3+$0x0], $0xffff  }
0x2bc: {  	vm1 =	vgt.s32 v2, $0xAFC7;
	v2 =	vnsel vm0, $0xAFC8, v2  }
0x2bd: {  	v2 =	vadd.s32 $0xFFFF5038, v2;
	_ =	sdelay $0x2  }
0x2be: {  	v1 =	vmul.f32 v1, v3;
	_ =	sdelay $0x1  }
0x2bf: {  	[tilespmem:v2+s30+$0x0] =	vst.idx.add.f32.msk vm1, v1  }
0x2c0: {  	v1 =	vld [tilespmem:$0xEC00];
	_ =	sdelay $0x2  }
0x2c1: {  	v2 =	vld [tilespmem:$0x13B00];
	_ =	sdelay $0x3  }
0x2c2: {  	v3 =	vld [tilespmem:$0x18A00]  }
0x2c3: {  	vm0 =	vgt.s32 v2, $0xAFC8;
	v1 =	vld.idx.msk [tilespmem:v1+s3+$0x0], $0xffff  }
0x2c4: {  	vm1 =	vgt.s32 v2, $0xAFC7;
	v2 =	vnsel vm0, $0xAFC8, v2  }
0x2c5: {  	v2 =	vadd.s32 $0xFFFF5038, v2;
	_ =	sdelay $0x2  }
0x2c6: {  	v1 =	vmul.f32 v1, v3;
	_ =	sdelay $0x1  }
0x2c7: {  	[tilespmem:v2+s30+$0x0] =	vst.idx.add.f32.msk vm1, v1  }
0x2c8: {  	v1 =	vld [tilespmem:$0xEC10];
	_ =	sdelay $0x2  }
0x2c9: {  	v2 =	vld [tilespmem:$0x13B10];
	_ =	sdelay $0x3  }
0x2ca: {  	v3 =	vld [tilespmem:$0x18A10]  }
0x2cb: {  	vm0 =	vgt.s32 v2, $0xAFC8;
	v1 =	vld.idx.msk [tilespmem:v1+s3+$0x0], $0xffff  }
0x2cc: {  	vm1 =	vgt.s32 v2, $0xAFC7;
	v2 =	vnsel vm0, $0xAFC8, v2  }
0x2cd: {  	v2 =	vadd.s32 $0xFFFF5038, v2;
	_ =	sdelay $0x2  }
0x2ce: {  	v1 =	vmul.f32 v1, v3;
	_ =	sdelay $0x1  }
0x2cf: {  	s4 =	simm.s32 $0xEC60;
	[tilespmem:v2+s30+$0x0] =	vst.idx.add.f32.msk vm1, v1  }
0x2d0: {  	v1 =	vld [tilespmem:s4+$0x0]  }
0x2d1: {  	v2 =	vld [tilespmem:s4+$0xFFFFFFC0]  }
0x2d2: {  	v3 =	vld [tilespmem:s4+$0xFFFFFFD0]  }
0x2d3: {  	s0 =	simm.s32 $0x13B60;
	v4 =	vld [tilespmem:s4+$0xFFFFFFE0]  }
0x2d4: {  	v5 =	vld [tilespmem:s0+$0x0]  }
0x2d5: {  	v6 =	vld [tilespmem:s4+$0xFFFFFFF0]  }
0x2d6: {  	v7 =	vld [tilespmem:s0+$0xFFFFFFD0]  }
0x2d7: {  	s5 =	simm.s32 $0x18A60;
	v8 =	vld [tilespmem:s0+$0xFFFFFFE0]  }
0x2d8: {  	v9 =	vld [tilespmem:s5+$0x0]  }
0x2d9: {  	v10 =	vld [tilespmem:s0+$0xFFFFFFC0]  }
0x2da: {  	v11 =	vld [tilespmem:s0+$0xFFFFFFF0]  }
0x2db: {  	s4 =	simm.s32 $0x0;
	v62 =	vld [tilespmem:s5+$0xFFFFFFD0]  }
0x2dc: {  	vm0 =	vgt.s32 v5, $0xAFC8;
	v1 =	vld.idx.msk [tilespmem:v1+s4+$0x0], $0xffff  }
0x2dd: {  	vm1 =	vgt.s32 v5, $0xAFC7;
	v12 =	vld.idx.msk [tilespmem:v2+s4+$0x0], $0xffff;
	v2 =	vnsel vm0, $0xAFC8, v5  }
0x2de: {  	v14 =	vld [tilespmem:s5+$0xFFFFFFE0];
	v2 =	vadd.s32 $0xFFFF5038, v2  }
0x2df: {  	v5 =	vld.idx.msk [tilespmem:v3+s4+$0x0], $0xffff  }
0x2e0: {  	vm2 =	vgt.s32 v10, $0xAFC8;
	v13 =	vld.idx.msk [tilespmem:v4+s4+$0x0], $0xffff  }
0x2e1: {  	vm3 =	vgt.s32 v7, $0xAFC8;
	vm4 =	vgt.s32 v10, $0xAFC7;
	v3 =	vld [tilespmem:s5+$0xFFFFFFC0];
	v1 =	vmul.f32 v1, v9  }
0x2e2: {  	vm0 =	vgt.s32 v7, $0xAFC7;
	v4 =	vnsel vm2, $0xAFC8, v10;
	vm2 =	vgt.s32 v8, $0xAFC8;
	v6 =	vld.idx.msk [tilespmem:v6+s4+$0x0], $0xffff  }
0x2e3: {  	v63 =	vadd.s32 $0xFFFF5038, v4;
	v4 =	vnsel vm3, $0xAFC8, v7;
	v7 =	vnsel vm2, $0xAFC8, v8;
	[tilespmem:v2+s30+$0x0] =	vst.idx.add.f32.msk vm1, v1  }
0x2e4: {  	v2 =	vadd.s32 $0xFFFF5038, v7;
	v7 =	vld [tilespmem:s5+$0xFFFFFFF0]  }
0x2e5: {  	vm3 =	vgt.s32 v8, $0xAFC7;
	vm2 =	vgt.s32 v11, $0xAFC7;
	vm0 =	vmmov vm0  }
0x2e6: {  	vm2 =	vmmov vm2;
	v8 =	vmul.f32 v12, v3;
	vm1 =	vgt.s32 v11, $0xAFC8  }
0x2e7: {  	v1 =	vadd.s32 $0xFFFF5038, v4;
	v4 =	vnsel vm1, $0xAFC8, v11;
	vm1 =	vmmov vm3  }
0x2e8: {  	s6 =	simm.s32 $0xA;
	s25 =	simm.s32 $0xECB0;
	[tilespmem:v63+s30+$0x0] =	vst.idx.add.f32.msk vm4, v8;
	v3 =	vadd.s32 $0xFFFF5038, v4;
	v4 =	vmul.f32 v5, v62;
	v5 =	vmul.f32 v13, v14  }
.LBB2_12:
0x2e9: {  	v8 =	vld [tilespmem:s25+$0x0];
	s6 =	sadd.s32 $0x5, s6;
	v9 =	vmul.f32 v6, v7  }
0x2ea: {  	v6 =	vld [tilespmem:s25+$0xFFFFFFC0];
	p0 =	slt.u32 s6, $0x26C  }
0x2eb: {  	v7 =	vld [tilespmem:s25+$0xFFFFFFD0]  }
0x2ec: {  	s0 =	sadd.s32 $0x50, s0;
	v10 =	vld [tilespmem:s25+$0xFFFFFFE0]  }
0x2ed: {  	v11 =	vld [tilespmem:s0+$0x0]  }
0x2ee: {  	v12 =	vld [tilespmem:s25+$0xFFFFFFF0]  }
0x2ef: {  	v13 =	vld [tilespmem:s0+$0xFFFFFFD0]  }
0x2f0: {  	v14 =	vld [tilespmem:s0+$0xFFFFFFE0]  }
0x2f1: {  	s5 =	sadd.s32 $0x50, s5;
	v8 =	vld.idx.msk [tilespmem:v8+s4+$0x0], $0xffff  }
0x2f2: {  	v15 =	vld [tilespmem:s5+$0x0];
	vm3 =	vgt.s32 v11, $0xAFC8  }
0x2f3: {  	vm5 =	vgt.s32 v11, $0xAFC7;
	v16 =	vld [tilespmem:s0+$0xFFFFFFF0];
	v11 =	vnsel vm3, $0xAFC8, v11  }
0x2f4: {  	v17 =	vld [tilespmem:s0+$0xFFFFFFC0];
	vm3 =	vgt.s32 v13, $0xAFC7;
	vm4 =	vgt.s32 v13, $0xAFC8;
	v11 =	vadd.s32 $0xFFFF5038, v11  }
0x2f5: {  	v18 =	vld.idx.msk [tilespmem:v6+s4+$0x0], $0xffff;
	v6 =	vnsel vm4, $0xAFC8, v13;
	vm4 =	vgt.s32 v14, $0xAFC7;
	vm6 =	vgt.s32 v14, $0xAFC8  }
0x2f6: {  	v13 =	vld.idx.msk [tilespmem:v7+s4+$0x0], $0xffff;
	v19 =	vadd.s32 $0xFFFF5038, v6;
	v6 =	vnsel vm6, $0xAFC8, v14  }
0x2f7: {  	v10 =	vld.idx.msk [tilespmem:v10+s4+$0x0], $0xffff;
	v14 =	vadd.s32 $0xFFFF5038, v6;
	v7 =	vmul.f32 v8, v15  }
0x2f8: {  	vm6 =	vgt.s32 v16, $0xAFC7;
	v6 =	vld.idx.msk [tilespmem:v12+s4+$0x0], $0xffff;
	vm7 =	vgt.s32 v16, $0xAFC8  }
0x2f9: {  	vm8 =	vgt.s32 v17, $0xAFC7;
	vm9 =	vgt.s32 v17, $0xAFC8;
	v8 =	vnsel vm7, $0xAFC8, v16;
	[tilespmem:v11+s30+$0x0] =	vst.idx.add.f32.msk vm5, v7  }
0x2fa: {  	v11 =	vld [tilespmem:s5+$0xFFFFFFC0];
	v7 =	vnsel vm9, $0xAFC8, v17;
	v8 =	vadd.s32 $0xFFFF5038, v8  }
0x2fb: {  	v12 =	vadd.s32 $0xFFFF5038, v7;
	v15 =	vld [tilespmem:s5+$0xFFFFFFD0]  }
0x2fc: {  	v16 =	vld [tilespmem:s5+$0xFFFFFFE0]  }
.Ltmp5:
0x2fd: {  	v7 =	vld [tilespmem:s5+$0xFFFFFFF0];
	(pc) =	sbr.rel @p0 .LBB2_12-.Ltmp5, $4  }
0x2fe: {  	[tilespmem:v1+s30+$0x0] =	vst.idx.add.f32.msk vm0, v4;
	v1 =	vmov v19;
	vm0 =	vmmov vm3  }
0x2ff: {  	v11 =	vmul.f32 v18, v11;
	[tilespmem:v2+s30+$0x0] =	vst.idx.add.f32.msk vm1, v5;
	v2 =	vmov v14;
	vm1 =	vmmov vm4  }
0x300: {  	v4 =	vmul.f32 v13, v15;
	[tilespmem:v3+s30+$0x0] =	vst.idx.add.f32.msk vm2, v9;
	v3 =	vmov v8;
	vm2 =	vmmov vm6  }
0x301: {  	s25 =	sadd.s32 $0x50, s25;
	[tilespmem:v12+s30+$0x0] =	vst.idx.add.f32.msk vm8, v11;
	v5 =	vmul.f32 v10, v16  }
0x302: {  	_ =	sdelay $0x4  }
0x303: {  	v6 =	vmul.f32 v6, v7;
	[tilespmem:v1+s30+$0x0] =	vst.idx.add.f32.msk vm0, v4  }
0x304: {  	[tilespmem:v2+s30+$0x0] =	vst.idx.add.f32.msk vm1, v5  }
0x305: {  	s0 =	simm.s32 $0x0;
	[tilespmem:v3+s30+$0x0] =	vst.idx.add.f32.msk vm2, v6  }
0x306: {  	s4 =	simm.s32 $0x40;
	s25 =	simm.s32 $0x11300;
	v1 =	vld [tilespmem:s0+$0xC380]  }
.LBB2_14:
0x307: {  	p0 =	sne.s32 s4, $0x4FC0  }
.Ltmp6:
0x308: {  	_ = 	snop;
	(pc) =	sbr.rel @p0 .LBB2_14-.Ltmp6, $3  }
0x309: {  	_ =	sdelay $0x1  }
0x30a: {  	[tilespmem:s0+$0xD780] =	vst v1;
	s0 =	sshra.s32 s4, $0x2;
	s4 =	sadd.s32 $0x40, s4  }
0x30b: {  	v1 =	vld [tilespmem:s0+$0xC380]  }
0x30c: {  	_ =	sdelay $0x1  }
0x30d: {  	s1 =	sadd.s32 $0x1, s1  }
0x30e: {  	s6 =	simm.s32 $0x80;
	p0 =	sne.s32 s1, s20  }
.Ltmp7:
0x30f: {  	s4 =	simm.s32 $0x400;
	s5 =	simm.s32 $0xD780;
	[tilespmem:s0+$0xD780] =	vst v1;
	(pc) =	sbr.rel @p0 .LBB2_1-.Ltmp7, $4  }
0x310: {  	[hbm4b:s19+s6] =	stream.strided.scatter [tilespmem:s5], [sflag:$0x4], $0x1400, s4, s6, $0x38;
	[tilespmem:$0x1D880] =	vst v63  }
0x311: {  	_ =	swait.ge [sflag:s2], $0x1400  }
0x312: {  	[sflag:s2] =	ssyncset.done $0x0  }
0x313: {  	[sflag:s2] =	ssyncadd.s32 $0xFFFFEC00  }
0x314: {  	_ =	sfence.sel $0x180000  }
0x315: {  	[bflag:$0x0] =	sbarrier.arrive $0xFFFF  }
0x316: {  	_ =	strace $0x90000047  }
0x317: {  	s0 =	stileid.u32;
	[bflag:$0x2] =	sbarrier.arrive $0xFFFF  }
0x318: {  	p0 =	sne.s32 s0, $0x0;
	s0 =	rddreg [dreg:$0x5]  }
0x319: {  	s0 =	sadd.s32 @!p0 $0x100000, s0  }
0x31a: {  	[sflag:s0] =	ssyncadd.tile.s32 @!p0 $0x1;
	_ =	shalt  }
.Lfunc_end2:
_tile_overlayer_lowered:
.L_overlay_start_2:
0x31b: {  	(tag) =	ssettag $0x2  }
0x31c: {  	s0 =	rddreg [dreg:$0x0];
	s2 =	stileid.u32  }
0x31d: {  	s1 =	rddreg [dreg:$0x1];
	p0 =	sne.s32 s2, $0x0  }
0x31e: {  	s3 =	rddreg [dreg:$0x2];
	[bflag:$0x3] =	sbarrier.arrive $0xFFFF;
	s2 =	simm.s32 @!p0 $0x1C04  }
0x31f: {  	[timem:s3], [sflag:s2] =	dma.local @!p0 [hbm:s0], s1  }
0x320: {  	s0 =	simm.s32 @!p0 $0x4  }
0x321: {  	_ =	swait.ge @!p0 [sflag:s0], s1  }
0x322: {  	s1 =	ssub.s32 @!p0 $0x0, s1;
	[sflag:s0] =	ssyncset.done @!p0 $0x0  }
0x323: {  	[sflag:s0] =	ssyncadd.s32 @!p0 s1  }
0x324: {  	[bflag:$0x3] =	sbarrier.arrive $0xFFFF  }
0x325: {  	_ =	shalt  }

</sc_bundles>
